<compile_context>
chip_gen: v7x
topology: tpu7x:2x2x1
jax: 0.10.2.dev20260603
libtpu: 0.0.44.dev20260713+nightly
codegen_flags: <defaults>
</compile_context>

<pallas_src>
import functools

import jax
import jax.numpy as jnp
from jax import lax
from jax.experimental import pallas as pl
from jax.experimental.pallas import tpu as pltpu
from jax.experimental.pallas import tpu_sc as plsc

N_ROWS = 100000
D = 200
L = 16
NW = 32
GROUPS_PER_CHUNK = 10
CHUNK_ROWS = GROUPS_PER_CHUNK * L
N_CHUNKS = N_ROWS // CHUNK_ROWS
MAX_CHUNKS = -(-N_CHUNKS // NW)
N_PAIRS = MAX_CHUNKS // 2
UNROLL = 8

LN2 = 0.6931471805599453
SQRT2 = 1.4142135623730951


def _vec_log(s):
    bits = plsc.bitcast(s, jnp.int32)
    e = (bits >> 23) - 127
    mant = plsc.bitcast((bits & 0x007FFFFF) | 0x3F800000, jnp.float32)
    big = mant > SQRT2
    mant = jnp.where(big, mant * 0.5, mant)
    e = jnp.where(big, e + 1, e).astype(jnp.float32)
    t = (mant - 1.0) / (mant + 1.0)
    t2 = t * t
    p = 2.0 * t * (1.0 + t2 * (1.0 / 3.0 + t2 * (1.0 / 5.0 + t2 * (1.0 / 7.0))))
    return e * LN2 + p


def _body(value_hbm, logits_hbm, out_hbm,
          lbufa, lbufb, vbufa, vbufb, obuf, semla, semlb, semva, semvb):
    wid = lax.axis_index("c") * 16 + lax.axis_index("s")
    n_mine = (N_CHUNKS // NW) + jnp.where(wid < (N_CHUNKS % NW), 1, 0)
    lane = lax.iota(jnp.int32, L)

    def row_base(k):
        return (wid + jnp.minimum(k, n_mine - 1) * NW) * CHUNK_ROWS

    def issue(k, lbuf, vbuf, seml, semv):
        rb = row_base(k)
        pltpu.async_copy(logits_hbm.at[pl.ds(rb, CHUNK_ROWS), :], lbuf, seml)
        pltpu.async_copy(value_hbm.at[pl.ds(rb, CHUNK_ROWS)], vbuf, semv)

    def wait(lbuf, vbuf, seml, semv):
        pltpu.make_async_copy(
            logits_hbm.at[pl.ds(0, CHUNK_ROWS), :], lbuf, seml).wait()
        pltpu.make_async_copy(
            value_hbm.at[pl.ds(0, CHUNK_ROWS)], vbuf, semv).wait()

    def compute(k, lbuf, vbuf):
        def group_body(g, _):
            ridx = g * L + lane

            def j_step(j, accs):
                new = []
                for u in range(UNROLL):
                    cidx = lane + (j + u)
                    cidx = jnp.where(cidx >= D, cidx - D, cidx)
                    x = plsc.load_gather(lbuf, [ridx, cidx])
                    new.append(accs[u] + jnp.exp(x))
                return tuple(new)

            accs = plsc.parallel_loop(
                0, D, step=UNROLL,
                carry=tuple(jnp.zeros((L,), jnp.float32)
                            for _ in range(UNROLL)),
            )(j_step)
            s = accs[0]
            for u in range(1, UNROLL):
                s = s + accs[u]

            vvals = vbuf[pl.ds(g * L, L)]
            gathered = plsc.load_gather(lbuf, [ridx, vvals])
            obuf[pl.ds(g * L, L)] = gathered - _vec_log(s)
            return 0

        lax.fori_loop(0, GROUPS_PER_CHUNK, group_body, 0)
        pltpu.sync_copy(obuf, out_hbm.at[pl.ds(row_base(k), CHUNK_ROWS)])

    issue(0, lbufa, vbufa, semla, semva)

    def pair_body(t, _):
        ka = 2 * t
        issue(ka + 1, lbufb, vbufb, semlb, semvb)
        wait(lbufa, vbufa, semla, semva)
        compute(ka, lbufa, vbufa)
        issue(ka + 2, lbufa, vbufa, semla, semva)
        wait(lbufb, vbufb, semlb, semvb)
        compute(ka + 1, lbufb, vbufb)
        return 0

    lax.fori_loop(0, N_PAIRS, pair_body, 0)
    wait(lbufa, vbufa, semla, semva)


@jax.jit
def _run(value, logits):
    mesh = plsc.VectorSubcoreMesh(core_axis_name="c", subcore_axis_name="s")
    f = functools.partial(
        pl.kernel,
        out_type=jax.ShapeDtypeStruct((N_ROWS,), jnp.float32),
        mesh=mesh,
        compiler_params=pltpu.CompilerParams(needs_layout_passes=False),
        scratch_types=[
            pltpu.VMEM((CHUNK_ROWS, D), jnp.float32),
            pltpu.VMEM((CHUNK_ROWS, D), jnp.float32),
            pltpu.VMEM((CHUNK_ROWS,), jnp.int32),
            pltpu.VMEM((CHUNK_ROWS,), jnp.int32),
            pltpu.VMEM((CHUNK_ROWS,), jnp.float32),
            pltpu.SemaphoreType.DMA,
            pltpu.SemaphoreType.DMA,
            pltpu.SemaphoreType.DMA,
            pltpu.SemaphoreType.DMA,
        ],
    )(_body)
    return f(value, logits)


def kernel(value, logits):
    return _run(value.astype(jnp.int32), logits)

# --- scband reference (transcript-rebuilt; emitter-appended) ---
"""Pipeline reference for scband-duration-distribution-3075196584549 (READ-ONLY COPY).

The authoritative reference and input builder live on the scoring server;
editing this copy changes nothing except your own understanding.
"""

import jax, jax.numpy as jnp
import numpy as np

N_STATES = 100000
MAX_DURATION = 200

def setup_inputs(seed: int = 0) -> dict:
    key = jax.random.key(seed)
    k1, k2 = jax.random.split(key)
    # Learned parameter: duration logits table (n_states, max_duration)
    logits = jax.random.normal(k1, (N_STATES, MAX_DURATION), dtype=jnp.float32)
    # Forward arg: one duration value per state row (Categorical batch shape = (n_states,))
    value = jax.random.randint(k2, (N_STATES,), 0, MAX_DURATION)
    return {"value": value, "logits": logits}

def reference(value, logits):
    # Faithful port of Categorical(logits=self._logits).log_prob(value):
    # log_prob(v) = logits[i, v_i] - logsumexp(logits[i, :])
    log_z = jax.scipy.special.logsumexp(logits, axis=-1)
    gathered = jnp.take_along_axis(logits, value[:, None], axis=-1)[:, 0]
    return gathered - log_z

if __name__ == "__main__":
    import jax
    _d = setup_inputs()
    print(jax.jit(kernel)(*tuple(_d.values())))

</pallas_src>

<mosaic_0001>
#map = affine_map<(d0, d1) -> (0)>
#map1 = affine_map<(d0, d1) -> (0, 0)>
module attributes {stable_mosaic.version = 14 : i64} {
  func.func @_body(%arg0: i32, %arg1: i32, %arg2: memref<100000xi32, #tpu.memory_space<hbm>>, %arg3: memref<100000x200xf32, #tpu.memory_space<hbm>>, %arg4: memref<100000xf32, #tpu.memory_space<hbm>>, %arg5: memref<160x200xf32, #tpu.memory_space<vmem>>, %arg6: memref<160x200xf32, #tpu.memory_space<vmem>>, %arg7: memref<160xi32, #tpu.memory_space<vmem>>, %arg8: memref<160xi32, #tpu.memory_space<vmem>>, %arg9: memref<160xf32, #tpu.memory_space<vmem>>, %arg10: memref<!tpu.dma_semaphore, #tpu.memory_space<semaphore_mem>>, %arg11: memref<!tpu.dma_semaphore, #tpu.memory_space<semaphore_mem>>, %arg12: memref<!tpu.dma_semaphore, #tpu.memory_space<semaphore_mem>>, %arg13: memref<!tpu.dma_semaphore, #tpu.memory_space<semaphore_mem>>) attributes {dimension_semantics = [#tpu.dimension_semantics<core_parallel>, #tpu.dimension_semantics<subcore_parallel>], iteration_bounds = array<i64: 2, 16>, scalar_prefetch = 0 : i64, scratch_operands = 9 : i64, tpu.core_type = #tpu.core_type<sc_vector_subcore>, window_params = [{transform_indices = #map}, {transform_indices = #map1}, {transform_indices = #map}]} {
    %mul3A = arith.constant 16 : i32
    %mul3A_0 = arith.muli %arg0, %mul3A : i32
    %add3A = arith.addi %mul3A_0, %arg1 : i32
    %lt3A = arith.constant 17 : i32
    %lt3A_1 = arith.cmpi slt, %add3A, %lt3A : i32
    %jit3A = arith.constant 1 : i32
    %jit3A_2 = arith.constant 0 : i32
    %select_n3A = arith.select %lt3A_1, %jit3A, %jit3A_2 : i32
    %add3A_3 = arith.constant 19 : i32
    %add3A_4 = arith.addi %add3A_3, %select_n3A : i32
    %iota3A = tpu.iota {dimensions = array<i32: 0>} : vector<16xi32>
    %sub3A = arith.constant 1 : i32
    %sub3A_5 = arith.subi %add3A_4, %sub3A : i32
    %min3A = arith.constant 0 : i32
    %min3A_6 = arith.minsi %min3A, %sub3A_5 : i32
    %mul3A_7 = arith.constant 32 : i32
    %mul3A_8 = arith.muli %min3A_6, %mul3A_7 : i32
    %add3A_9 = arith.addi %add3A, %mul3A_8 : i32
    %mul3A_10 = arith.constant 160 : i32
    %mul3A_11 = arith.muli %add3A_9, %mul3A_10 : i32
    %dma_start3A = arith.constant 0 : i32
    %dma_start3A_12 = tpu.memref_slice %arg3[%mul3A_11, %dma_start3A] : memref<100000x200xf32, #tpu.memory_space<hbm>> -> memref<160x200xf32, #tpu.memory_space<hbm>>
    %dma_start3A_13 = arith.constant 0 : i32
    %dma_start3A_14 = tpu.memref_slice %arg3[%mul3A_11, %dma_start3A_13] : memref<100000x200xf32, #tpu.memory_space<hbm>> -> memref<160x200xf32, #tpu.memory_space<hbm>>
    tpu.enqueue_dma source(%dma_start3A_14 : memref<160x200xf32, #tpu.memory_space<hbm>>) target(%arg5 : memref<160x200xf32, #tpu.memory_space<vmem>>) target_semaphore(%arg10 : memref<!tpu.dma_semaphore, #tpu.memory_space<semaphore_mem>>)
    %dma_start3A_15 = tpu.memref_slice %arg2[%mul3A_11] : memref<100000xi32, #tpu.memory_space<hbm>> -> memref<160xi32, #tpu.memory_space<hbm>>
    %dma_start3A_16 = tpu.memref_slice %arg2[%mul3A_11] : memref<100000xi32, #tpu.memory_space<hbm>> -> memref<160xi32, #tpu.memory_space<hbm>>
    tpu.enqueue_dma source(%dma_start3A_16 : memref<160xi32, #tpu.memory_space<hbm>>) target(%arg7 : memref<160xi32, #tpu.memory_space<vmem>>) target_semaphore(%arg12 : memref<!tpu.dma_semaphore, #tpu.memory_space<semaphore_mem>>)
    %scan3A = arith.constant 0 : i32
    %scan3A_17 = arith.constant 0 : i32
    %scan3A_18 = arith.constant 10 : i32
    %scan3A_19 = arith.addi %scan3A_17, %scan3A_18 : i32
    %scan3A_20 = arith.constant 1 : i32
    %scan3A_21 = scf.for %scan3A_32 = %scan3A_17 to %scan3A_19 step %scan3A_20 iter_args(%scan3A_33 = %scan3A) -> (i32)  : i32 {
      %mul3A_34 = arith.constant 2 : i32
      %mul3A_35 = arith.muli %mul3A_34, %scan3A_32 : i32
      %add3A_36 = arith.constant 1 : i32
      %add3A_37 = arith.addi %mul3A_35, %add3A_36 : i32
      %sub3A_38 = arith.constant 1 : i32
      %sub3A_39 = arith.subi %add3A_4, %sub3A_38 : i32
      %min3A_40 = arith.minsi %add3A_37, %sub3A_39 : i32
      %mul3A_41 = arith.constant 32 : i32
      %mul3A_42 = arith.muli %min3A_40, %mul3A_41 : i32
      %add3A_43 = arith.addi %add3A, %mul3A_42 : i32
      %mul3A_44 = arith.constant 160 : i32
      %mul3A_45 = arith.muli %add3A_43, %mul3A_44 : i32
      %dma_start3A_46 = arith.constant 0 : i32
      %dma_start3A_47 = tpu.memref_slice %arg3[%mul3A_45, %dma_start3A_46] : memref<100000x200xf32, #tpu.memory_space<hbm>> -> memref<160x200xf32, #tpu.memory_space<hbm>>
      %dma_start3A_48 = arith.constant 0 : i32
      %dma_start3A_49 = tpu.memref_slice %arg3[%mul3A_45, %dma_start3A_48] : memref<100000x200xf32, #tpu.memory_space<hbm>> -> memref<160x200xf32, #tpu.memory_space<hbm>>
      tpu.enqueue_dma source(%dma_start3A_49 : memref<160x200xf32, #tpu.memory_space<hbm>>) target(%arg6 : memref<160x200xf32, #tpu.memory_space<vmem>>) target_semaphore(%arg11 : memref<!tpu.dma_semaphore, #tpu.memory_space<semaphore_mem>>)
      %dma_start3A_50 = tpu.memref_slice %arg2[%mul3A_45] : memref<100000xi32, #tpu.memory_space<hbm>> -> memref<160xi32, #tpu.memory_space<hbm>>
      %dma_start3A_51 = tpu.memref_slice %arg2[%mul3A_45] : memref<100000xi32, #tpu.memory_space<hbm>> -> memref<160xi32, #tpu.memory_space<hbm>>
      tpu.enqueue_dma source(%dma_start3A_51 : memref<160xi32, #tpu.memory_space<hbm>>) target(%arg8 : memref<160xi32, #tpu.memory_space<vmem>>) target_semaphore(%arg13 : memref<!tpu.dma_semaphore, #tpu.memory_space<semaphore_mem>>)
      %dma_wait3A_52 = arith.constant 0 : i32
      %dma_wait3A_53 = arith.constant 0 : i32
      %dma_wait3A_54 = tpu.memref_slice %arg3[%dma_wait3A_52, %dma_wait3A_53] : memref<100000x200xf32, #tpu.memory_space<hbm>> -> memref<160x200xf32, #tpu.memory_space<hbm>>
      %dma_wait3A_55 = arith.constant 0 : i32
      %dma_wait3A_56 = arith.constant 0 : i32
      %dma_wait3A_57 = tpu.memref_slice %arg3[%dma_wait3A_55, %dma_wait3A_56] : memref<100000x200xf32, #tpu.memory_space<hbm>> -> memref<160x200xf32, #tpu.memory_space<hbm>>
      tpu.wait_dma2 semaphore(%arg10 : memref<!tpu.dma_semaphore, #tpu.memory_space<semaphore_mem>>) src(%dma_wait3A_57 : memref<160x200xf32, #tpu.memory_space<hbm>>) dst(%arg5 : memref<160x200xf32, #tpu.memory_space<vmem>>)
      %dma_wait3A_58 = arith.constant 0 : i32
      %dma_wait3A_59 = tpu.memref_slice %arg2[%dma_wait3A_58] : memref<100000xi32, #tpu.memory_space<hbm>> -> memref<160xi32, #tpu.memory_space<hbm>>
      %dma_wait3A_60 = arith.constant 0 : i32
      %dma_wait3A_61 = tpu.memref_slice %arg2[%dma_wait3A_60] : memref<100000xi32, #tpu.memory_space<hbm>> -> memref<160xi32, #tpu.memory_space<hbm>>
      tpu.wait_dma2 semaphore(%arg12 : memref<!tpu.dma_semaphore, #tpu.memory_space<semaphore_mem>>) src(%dma_wait3A_61 : memref<160xi32, #tpu.memory_space<hbm>>) dst(%arg7 : memref<160xi32, #tpu.memory_space<vmem>>)
      %scan3A_62 = arith.constant 0 : i32
      %scan3A_63 = arith.constant 0 : i32
      %scan3A_64 = arith.constant 10 : i32
      %scan3A_65 = arith.addi %scan3A_63, %scan3A_64 : i32
      %scan3A_66 = arith.constant 1 : i32
      %scan3A_67 = scf.for %scan3A_121 = %scan3A_63 to %scan3A_65 step %scan3A_66 iter_args(%scan3A_122 = %scan3A_62) -> (i32)  : i32 {
        %mul3A_123 = arith.constant 16 : i32
        %mul3A_124 = arith.muli %scan3A_121, %mul3A_123 : i32
        %add3A_125 = vector.broadcast %mul3A_124 : i32 to vector<16xi32>
        %add3A_126 = arith.addi %add3A_125, %iota3A : vector<16xi32>
        %broadcast_in_dim3A = arith.constant 0.000000e+00 : f32
        %broadcast_in_dim3A_127 = vector.broadcast %broadcast_in_dim3A : f32 to vector<16xf32>
        %broadcast_in_dim3A_128 = arith.constant 0.000000e+00 : f32
        %broadcast_in_dim3A_129 = vector.broadcast %broadcast_in_dim3A_128 : f32 to vector<16xf32>
        %broadcast_in_dim3A_130 = arith.constant 0.000000e+00 : f32
        %broadcast_in_dim3A_131 = vector.broadcast %broadcast_in_dim3A_130 : f32 to vector<16xf32>
        %broadcast_in_dim3A_132 = arith.constant 0.000000e+00 : f32
        %broadcast_in_dim3A_133 = vector.broadcast %broadcast_in_dim3A_132 : f32 to vector<16xf32>
        %broadcast_in_dim3A_134 = arith.constant 0.000000e+00 : f32
        %broadcast_in_dim3A_135 = vector.broadcast %broadcast_in_dim3A_134 : f32 to vector<16xf32>
        %broadcast_in_dim3A_136 = arith.constant 0.000000e+00 : f32
        %broadcast_in_dim3A_137 = vector.broadcast %broadcast_in_dim3A_136 : f32 to vector<16xf32>
        %broadcast_in_dim3A_138 = arith.constant 0.000000e+00 : f32
        %broadcast_in_dim3A_139 = vector.broadcast %broadcast_in_dim3A_138 : f32 to vector<16xf32>
        %broadcast_in_dim3A_140 = arith.constant 0.000000e+00 : f32
        %broadcast_in_dim3A_141 = vector.broadcast %broadcast_in_dim3A_140 : f32 to vector<16xf32>
        %parallel_loop3A = arith.constant 0 : i32
        %parallel_loop3A_142 = arith.constant 200 : i32
        %parallel_loop3A_143 = arith.constant 8 : i32
        %parallel_loop3A_144:8 = scf.for %parallel_loop3A_209 = %parallel_loop3A to %parallel_loop3A_142 step %parallel_loop3A_143 iter_args(%parallel_loop3A_210 = %broadcast_in_dim3A_127, %parallel_loop3A_211 = %broadcast_in_dim3A_129, %parallel_loop3A_212 = %broadcast_in_dim3A_131, %parallel_loop3A_213 = %broadcast_in_dim3A_133, %parallel_loop3A_214 = %broadcast_in_dim3A_135, %parallel_loop3A_215 = %broadcast_in_dim3A_137, %parallel_loop3A_216 = %broadcast_in_dim3A_139, %parallel_loop3A_217 = %broadcast_in_dim3A_141) -> (vector<16xf32>, vector<16xf32>, vector<16xf32>, vector<16xf32>, vector<16xf32>, vector<16xf32>, vector<16xf32>, vector<16xf32>)  : i32 {
          %parallel_loop3A_218 = arith.constant 0 : i32
          %parallel_loop3A_219 = arith.addi %parallel_loop3A_209, %parallel_loop3A_218 : i32
          %parallel_loop3A_220 = vector.broadcast %parallel_loop3A_219 : i32 to vector<16xi32>
          %parallel_loop3A_221 = arith.addi %iota3A, %parallel_loop3A_220 : vector<16xi32>
          %parallel_loop3A_222 = arith.constant 200 : i32
          %parallel_loop3A_223 = vector.broadcast %parallel_loop3A_222 : i32 to vector<16xi32>
          %parallel_loop3A_224 = arith.cmpi sge, %parallel_loop3A_221, %parallel_loop3A_223 : vector<16xi32>
          %parallel_loop3A_225 = arith.constant 200 : i32
          %parallel_loop3A_226 = vector.broadcast %parallel_loop3A_225 : i32 to vector<16xi32>
          %parallel_loop3A_227 = arith.subi %parallel_loop3A_221, %parallel_loop3A_226 : vector<16xi32>
          %parallel_loop3A_228 = arith.select %parallel_loop3A_224, %parallel_loop3A_227, %parallel_loop3A_221 : vector<16xi1>, vector<16xi32>
          %parallel_loop3A_229 = tpu.vector_load_idx %arg5[%add3A_126, %parallel_loop3A_228] : memref<160x200xf32, #tpu.memory_space<vmem>>[vector<16xi32>, vector<16xi32>], vector<16xf32>,
          %parallel_loop3A_230 = math.exp %parallel_loop3A_229 : vector<16xf32>
          %parallel_loop3A_231 = arith.addf %parallel_loop3A_210, %parallel_loop3A_230 : vector<16xf32>
          %parallel_loop3A_232 = arith.constant 1 : i32
          %parallel_loop3A_233 = arith.addi %parallel_loop3A_209, %parallel_loop3A_232 : i32
          %parallel_loop3A_234 = vector.broadcast %parallel_loop3A_233 : i32 to vector<16xi32>
          %parallel_loop3A_235 = arith.addi %iota3A, %parallel_loop3A_234 : vector<16xi32>
          %parallel_loop3A_236 = arith.constant 200 : i32
          %parallel_loop3A_237 = vector.broadcast %parallel_loop3A_236 : i32 to vector<16xi32>
          %parallel_loop3A_238 = arith.cmpi sge, %parallel_loop3A_235, %parallel_loop3A_237 : vector<16xi32>
          %parallel_loop3A_239 = arith.constant 200 : i32
          %parallel_loop3A_240 = vector.broadcast %parallel_loop3A_239 : i32 to vector<16xi32>
          %parallel_loop3A_241 = arith.subi %parallel_loop3A_235, %parallel_loop3A_240 : vector<16xi32>
          %parallel_loop3A_242 = arith.select %parallel_loop3A_238, %parallel_loop3A_241, %parallel_loop3A_235 : vector<16xi1>, vector<16xi32>
          %parallel_loop3A_243 = tpu.vector_load_idx %arg5[%add3A_126, %parallel_loop3A_242] : memref<160x200xf32, #tpu.memory_space<vmem>>[vector<16xi32>, vector<16xi32>], vector<16xf32>,
          %parallel_loop3A_244 = math.exp %parallel_loop3A_243 : vector<16xf32>
          %parallel_loop3A_245 = arith.addf %parallel_loop3A_211, %parallel_loop3A_244 : vector<16xf32>
          %parallel_loop3A_246 = arith.constant 2 : i32
          %parallel_loop3A_247 = arith.addi %parallel_loop3A_209, %parallel_loop3A_246 : i32
          %parallel_loop3A_248 = vector.broadcast %parallel_loop3A_247 : i32 to vector<16xi32>
          %parallel_loop3A_249 = arith.addi %iota3A, %parallel_loop3A_248 : vector<16xi32>
          %parallel_loop3A_250 = arith.constant 200 : i32
          %parallel_loop3A_251 = vector.broadcast %parallel_loop3A_250 : i32 to vector<16xi32>
          %parallel_loop3A_252 = arith.cmpi sge, %parallel_loop3A_249, %parallel_loop3A_251 : vector<16xi32>
          %parallel_loop3A_253 = arith.constant 200 : i32
          %parallel_loop3A_254 = vector.broadcast %parallel_loop3A_253 : i32 to vector<16xi32>
          %parallel_loop3A_255 = arith.subi %parallel_loop3A_249, %parallel_loop3A_254 : vector<16xi32>
          %parallel_loop3A_256 = arith.select %parallel_loop3A_252, %parallel_loop3A_255, %parallel_loop3A_249 : vector<16xi1>, vector<16xi32>
          %parallel_loop3A_257 = tpu.vector_load_idx %arg5[%add3A_126, %parallel_loop3A_256] : memref<160x200xf32, #tpu.memory_space<vmem>>[vector<16xi32>, vector<16xi32>], vector<16xf32>,
          %parallel_loop3A_258 = math.exp %parallel_loop3A_257 : vector<16xf32>
          %parallel_loop3A_259 = arith.addf %parallel_loop3A_212, %parallel_loop3A_258 : vector<16xf32>
          %parallel_loop3A_260 = arith.constant 3 : i32
          %parallel_loop3A_261 = arith.addi %parallel_loop3A_209, %parallel_loop3A_260 : i32
          %parallel_loop3A_262 = vector.broadcast %parallel_loop3A_261 : i32 to vector<16xi32>
          %parallel_loop3A_263 = arith.addi %iota3A, %parallel_loop3A_262 : vector<16xi32>
          %parallel_loop3A_264 = arith.constant 200 : i32
          %parallel_loop3A_265 = vector.broadcast %parallel_loop3A_264 : i32 to vector<16xi32>
          %parallel_loop3A_266 = arith.cmpi sge, %parallel_loop3A_263, %parallel_loop3A_265 : vector<16xi32>
          %parallel_loop3A_267 = arith.constant 200 : i32
          %parallel_loop3A_268 = vector.broadcast %parallel_loop3A_267 : i32 to vector<16xi32>
          %parallel_loop3A_269 = arith.subi %parallel_loop3A_263, %parallel_loop3A_268 : vector<16xi32>
          %parallel_loop3A_270 = arith.select %parallel_loop3A_266, %parallel_loop3A_269, %parallel_loop3A_263 : vector<16xi1>, vector<16xi32>
          %parallel_loop3A_271 = tpu.vector_load_idx %arg5[%add3A_126, %parallel_loop3A_270] : memref<160x200xf32, #tpu.memory_space<vmem>>[vector<16xi32>, vector<16xi32>], vector<16xf32>,
          %parallel_loop3A_272 = math.exp %parallel_loop3A_271 : vector<16xf32>
          %parallel_loop3A_273 = arith.addf %parallel_loop3A_213, %parallel_loop3A_272 : vector<16xf32>
          %parallel_loop3A_274 = arith.constant 4 : i32
          %parallel_loop3A_275 = arith.addi %parallel_loop3A_209, %parallel_loop3A_274 : i32
          %parallel_loop3A_276 = vector.broadcast %parallel_loop3A_275 : i32 to vector<16xi32>
          %parallel_loop3A_277 = arith.addi %iota3A, %parallel_loop3A_276 : vector<16xi32>
          %parallel_loop3A_278 = arith.constant 200 : i32
          %parallel_loop3A_279 = vector.broadcast %parallel_loop3A_278 : i32 to vector<16xi32>
          %parallel_loop3A_280 = arith.cmpi sge, %parallel_loop3A_277, %parallel_loop3A_279 : vector<16xi32>
          %parallel_loop3A_281 = arith.constant 200 : i32
          %parallel_loop3A_282 = vector.broadcast %parallel_loop3A_281 : i32 to vector<16xi32>
          %parallel_loop3A_283 = arith.subi %parallel_loop3A_277, %parallel_loop3A_282 : vector<16xi32>
          %parallel_loop3A_284 = arith.select %parallel_loop3A_280, %parallel_loop3A_283, %parallel_loop3A_277 : vector<16xi1>, vector<16xi32>
          %parallel_loop3A_285 = tpu.vector_load_idx %arg5[%add3A_126, %parallel_loop3A_284] : memref<160x200xf32, #tpu.memory_space<vmem>>[vector<16xi32>, vector<16xi32>], vector<16xf32>,
          %parallel_loop3A_286 = math.exp %parallel_loop3A_285 : vector<16xf32>
          %parallel_loop3A_287 = arith.addf %parallel_loop3A_214, %parallel_loop3A_286 : vector<16xf32>
          %parallel_loop3A_288 = arith.constant 5 : i32
          %parallel_loop3A_289 = arith.addi %parallel_loop3A_209, %parallel_loop3A_288 : i32
          %parallel_loop3A_290 = vector.broadcast %parallel_loop3A_289 : i32 to vector<16xi32>
          %parallel_loop3A_291 = arith.addi %iota3A, %parallel_loop3A_290 : vector<16xi32>
          %parallel_loop3A_292 = arith.constant 200 : i32
          %parallel_loop3A_293 = vector.broadcast %parallel_loop3A_292 : i32 to vector<16xi32>
          %parallel_loop3A_294 = arith.cmpi sge, %parallel_loop3A_291, %parallel_loop3A_293 : vector<16xi32>
          %parallel_loop3A_295 = arith.constant 200 : i32
          %parallel_loop3A_296 = vector.broadcast %parallel_loop3A_295 : i32 to vector<16xi32>
          %parallel_loop3A_297 = arith.subi %parallel_loop3A_291, %parallel_loop3A_296 : vector<16xi32>
          %parallel_loop3A_298 = arith.select %parallel_loop3A_294, %parallel_loop3A_297, %parallel_loop3A_291 : vector<16xi1>, vector<16xi32>
          %parallel_loop3A_299 = tpu.vector_load_idx %arg5[%add3A_126, %parallel_loop3A_298] : memref<160x200xf32, #tpu.memory_space<vmem>>[vector<16xi32>, vector<16xi32>], vector<16xf32>,
          %parallel_loop3A_300 = math.exp %parallel_loop3A_299 : vector<16xf32>
          %parallel_loop3A_301 = arith.addf %parallel_loop3A_215, %parallel_loop3A_300 : vector<16xf32>
          %parallel_loop3A_302 = arith.constant 6 : i32
          %parallel_loop3A_303 = arith.addi %parallel_loop3A_209, %parallel_loop3A_302 : i32
          %parallel_loop3A_304 = vector.broadcast %parallel_loop3A_303 : i32 to vector<16xi32>
          %parallel_loop3A_305 = arith.addi %iota3A, %parallel_loop3A_304 : vector<16xi32>
          %parallel_loop3A_306 = arith.constant 200 : i32
          %parallel_loop3A_307 = vector.broadcast %parallel_loop3A_306 : i32 to vector<16xi32>
          %parallel_loop3A_308 = arith.cmpi sge, %parallel_loop3A_305, %parallel_loop3A_307 : vector<16xi32>
          %parallel_loop3A_309 = arith.constant 200 : i32
          %parallel_loop3A_310 = vector.broadcast %parallel_loop3A_309 : i32 to vector<16xi32>
          %parallel_loop3A_311 = arith.subi %parallel_loop3A_305, %parallel_loop3A_310 : vector<16xi32>
          %parallel_loop3A_312 = arith.select %parallel_loop3A_308, %parallel_loop3A_311, %parallel_loop3A_305 : vector<16xi1>, vector<16xi32>
          %parallel_loop3A_313 = tpu.vector_load_idx %arg5[%add3A_126, %parallel_loop3A_312] : memref<160x200xf32, #tpu.memory_space<vmem>>[vector<16xi32>, vector<16xi32>], vector<16xf32>,
          %parallel_loop3A_314 = math.exp %parallel_loop3A_313 : vector<16xf32>
          %parallel_loop3A_315 = arith.addf %parallel_loop3A_216, %parallel_loop3A_314 : vector<16xf32>
          %parallel_loop3A_316 = arith.constant 7 : i32
          %parallel_loop3A_317 = arith.addi %parallel_loop3A_209, %parallel_loop3A_316 : i32
          %parallel_loop3A_318 = vector.broadcast %parallel_loop3A_317 : i32 to vector<16xi32>
          %parallel_loop3A_319 = arith.addi %iota3A, %parallel_loop3A_318 : vector<16xi32>
          %parallel_loop3A_320 = arith.constant 200 : i32
          %parallel_loop3A_321 = vector.broadcast %parallel_loop3A_320 : i32 to vector<16xi32>
          %parallel_loop3A_322 = arith.cmpi sge, %parallel_loop3A_319, %parallel_loop3A_321 : vector<16xi32>
          %parallel_loop3A_323 = arith.constant 200 : i32
          %parallel_loop3A_324 = vector.broadcast %parallel_loop3A_323 : i32 to vector<16xi32>
          %parallel_loop3A_325 = arith.subi %parallel_loop3A_319, %parallel_loop3A_324 : vector<16xi32>
          %parallel_loop3A_326 = arith.select %parallel_loop3A_322, %parallel_loop3A_325, %parallel_loop3A_319 : vector<16xi1>, vector<16xi32>
          %parallel_loop3A_327 = tpu.vector_load_idx %arg5[%add3A_126, %parallel_loop3A_326] : memref<160x200xf32, #tpu.memory_space<vmem>>[vector<16xi32>, vector<16xi32>], vector<16xf32>,
          %parallel_loop3A_328 = math.exp %parallel_loop3A_327 : vector<16xf32>
          %parallel_loop3A_329 = arith.addf %parallel_loop3A_217, %parallel_loop3A_328 : vector<16xf32>
          scf.yield %parallel_loop3A_231, %parallel_loop3A_245, %parallel_loop3A_259, %parallel_loop3A_273, %parallel_loop3A_287, %parallel_loop3A_301, %parallel_loop3A_315, %parallel_loop3A_329 : vector<16xf32>, vector<16xf32>, vector<16xf32>, vector<16xf32>, vector<16xf32>, vector<16xf32>, vector<16xf32>, vector<16xf32>
        } {sc.loop_unroll_factor = 1 : i64, sc.parallel_access}
        %add3A_145 = arith.addf %parallel_loop3A_144#0, %parallel_loop3A_144#1 : vector<16xf32>
        %add3A_146 = arith.addf %add3A_145, %parallel_loop3A_144#2 : vector<16xf32>
        %add3A_147 = arith.addf %add3A_146, %parallel_loop3A_144#3 : vector<16xf32>
        %add3A_148 = arith.addf %add3A_147, %parallel_loop3A_144#4 : vector<16xf32>
        %add3A_149 = arith.addf %add3A_148, %parallel_loop3A_144#5 : vector<16xf32>
        %add3A_150 = arith.addf %add3A_149, %parallel_loop3A_144#6 : vector<16xf32>
        %add3A_151 = arith.addf %add3A_150, %parallel_loop3A_144#7 : vector<16xf32>
        %mul3A_152 = arith.constant 16 : i32
        %mul3A_153 = arith.muli %scan3A_121, %mul3A_152 : i32
        %get3A = arith.index_cast %mul3A_153 : i32 to index
        %get3A_154 = tpu.vector_load %arg7[%get3A] {strides = array<i32>} : memref<160xi32, #tpu.memory_space<vmem>>, vector<16xi32>,
        %gather3A = tpu.vector_load_idx %arg5[%add3A_126, %get3A_154] : memref<160x200xf32, #tpu.memory_space<vmem>>[vector<16xi32>, vector<16xi32>], vector<16xf32>,
        %bitcast3A = vector.bitcast %add3A_151 : vector<16xf32> to vector<16xi32>
        %shift_right_arithmetic3A = arith.constant 23 : i32
        %shift_right_arithmetic3A_155 = vector.broadcast %shift_right_arithmetic3A : i32 to vector<16xi32>
        %shift_right_arithmetic3A_156 = arith.shrsi %bitcast3A, %shift_right_arithmetic3A_155 : vector<16xi32>
        %sub3A_157 = arith.constant 127 : i32
        %sub3A_158 = vector.broadcast %sub3A_157 : i32 to vector<16xi32>
        %sub3A_159 = arith.subi %shift_right_arithmetic3A_156, %sub3A_158 : vector<16xi32>
        %and3A = arith.constant 8388607 : i32
        %and3A_160 = vector.broadcast %and3A : i32 to vector<16xi32>
        %and3A_161 = arith.andi %bitcast3A, %and3A_160 : vector<16xi32>
        %or3A = arith.constant 1065353216 : i32
        %or3A_162 = vector.broadcast %or3A : i32 to vector<16xi32>
        %or3A_163 = arith.ori %and3A_161, %or3A_162 : vector<16xi32>
        %bitcast3A_164 = vector.bitcast %or3A_163 : vector<16xi32> to vector<16xf32>
        %gt3A = arith.constant 1.41421354 : f32
        %gt3A_165 = vector.broadcast %gt3A : f32 to vector<16xf32>
        %gt3A_166 = arith.cmpf ogt, %bitcast3A_164, %gt3A_165 : vector<16xf32>
        %mul3A_167 = arith.constant 5.000000e-01 : f32
        %mul3A_168 = vector.broadcast %mul3A_167 : f32 to vector<16xf32>
        %mul3A_169 = arith.mulf %bitcast3A_164, %mul3A_168 : vector<16xf32>
        %select_n3A_170 = arith.select %gt3A_166, %mul3A_169, %bitcast3A_164 : vector<16xi1>, vector<16xf32>
        %add3A_171 = arith.constant 1 : i32
        %add3A_172 = vector.broadcast %add3A_171 : i32 to vector<16xi32>
        %add3A_173 = arith.addi %sub3A_159, %add3A_172 : vector<16xi32>
        %select_n3A_174 = arith.select %gt3A_166, %add3A_173, %sub3A_159 : vector<16xi1>, vector<16xi32>
        %convert_element_type3A = arith.sitofp %select_n3A_174 : vector<16xi32> to vector<16xf32>
        %sub3A_175 = arith.constant 1.000000e+00 : f32
        %sub3A_176 = vector.broadcast %sub3A_175 : f32 to vector<16xf32>
        %sub3A_177 = arith.subf %select_n3A_170, %sub3A_176 : vector<16xf32>
        %add3A_178 = arith.constant 1.000000e+00 : f32
        %add3A_179 = vector.broadcast %add3A_178 : f32 to vector<16xf32>
        %add3A_180 = arith.addf %select_n3A_170, %add3A_179 : vector<16xf32>
        %div3A = arith.divf %sub3A_177, %add3A_180 : vector<16xf32>
        %mul3A_181 = arith.mulf %div3A, %div3A : vector<16xf32>
        %mul3A_182 = arith.constant 2.000000e+00 : f32
        %mul3A_183 = vector.broadcast %mul3A_182 : f32 to vector<16xf32>
        %mul3A_184 = arith.mulf %mul3A_183, %div3A : vector<16xf32>
        %mul3A_185 = arith.constant 0.142857149 : f32
        %mul3A_186 = vector.broadcast %mul3A_185 : f32 to vector<16xf32>
        %mul3A_187 = arith.mulf %mul3A_181, %mul3A_186 : vector<16xf32>
        %add3A_188 = arith.constant 2.000000e-01 : f32
        %add3A_189 = vector.broadcast %add3A_188 : f32 to vector<16xf32>
        %add3A_190 = arith.addf %add3A_189, %mul3A_187 : vector<16xf32>
        %mul3A_191 = arith.mulf %mul3A_181, %add3A_190 : vector<16xf32>
        %add3A_192 = arith.constant 0.333333343 : f32
        %add3A_193 = vector.broadcast %add3A_192 : f32 to vector<16xf32>
        %add3A_194 = arith.addf %add3A_193, %mul3A_191 : vector<16xf32>
        %mul3A_195 = arith.mulf %mul3A_181, %add3A_194 : vector<16xf32>
        %add3A_196 = arith.constant 1.000000e+00 : f32
        %add3A_197 = vector.broadcast %add3A_196 : f32 to vector<16xf32>
        %add3A_198 = arith.addf %add3A_197, %mul3A_195 : vector<16xf32>
        %mul3A_199 = arith.mulf %mul3A_184, %add3A_198 : vector<16xf32>
        %mul3A_200 = arith.constant 0.693147182 : f32
        %mul3A_201 = vector.broadcast %mul3A_200 : f32 to vector<16xf32>
        %mul3A_202 = arith.mulf %convert_element_type3A, %mul3A_201 : vector<16xf32>
        %add3A_203 = arith.addf %mul3A_202, %mul3A_199 : vector<16xf32>
        %sub3A_204 = arith.subf %gather3A, %add3A_203 : vector<16xf32>
        %mul3A_205 = arith.constant 16 : i32
        %mul3A_206 = arith.muli %scan3A_121, %mul3A_205 : i32
        %swap3A = arith.index_cast %mul3A_206 : i32 to index
        %swap3A_207 = tpu.vector_load %arg9[%swap3A] {strides = array<i32>} : memref<160xf32, #tpu.memory_space<vmem>>, vector<16xf32>,
        tpu.vector_store %arg9[%swap3A], %sub3A_204 {strides = array<i32>} : memref<160xf32, #tpu.memory_space<vmem>>, vector<16xf32>,
        %scan3A_208 = arith.constant 0 : i32
        scf.yield %scan3A_208 : i32
      }
      %scan3A_68 = arith.constant 10 : i32
      %sub3A_69 = arith.constant 1 : i32
      %sub3A_70 = arith.subi %add3A_4, %sub3A_69 : i32
      %min3A_71 = arith.minsi %mul3A_35, %sub3A_70 : i32
      %mul3A_72 = arith.constant 32 : i32
      %mul3A_73 = arith.muli %min3A_71, %mul3A_72 : i32
      %add3A_74 = arith.addi %add3A, %mul3A_73 : i32
      %mul3A_75 = arith.constant 160 : i32
      %mul3A_76 = arith.muli %add3A_74, %mul3A_75 : i32
      "tpu.region"() ({
        %run_scoped3A = tpu.sem_alloc : memref<!tpu.dma_semaphore, #tpu.memory_space<semaphore_mem>>
        %dma_start3A_121 = tpu.memref_slice %arg4[%mul3A_76] : memref<100000xf32, #tpu.memory_space<hbm>> -> memref<160xf32, #tpu.memory_space<hbm>>
        %dma_start3A_122 = tpu.memref_slice %arg4[%mul3A_76] : memref<100000xf32, #tpu.memory_space<hbm>> -> memref<160xf32, #tpu.memory_space<hbm>>
        tpu.enqueue_dma source(%arg9 : memref<160xf32, #tpu.memory_space<vmem>>) target(%dma_start3A_122 : memref<160xf32, #tpu.memory_space<hbm>>) target_semaphore(%run_scoped3A : memref<!tpu.dma_semaphore, #tpu.memory_space<semaphore_mem>>)
        %dma_wait3A_123 = tpu.memref_slice %arg4[%mul3A_76] : memref<100000xf32, #tpu.memory_space<hbm>> -> memref<160xf32, #tpu.memory_space<hbm>>
        %dma_wait3A_124 = tpu.memref_slice %arg4[%mul3A_76] : memref<100000xf32, #tpu.memory_space<hbm>> -> memref<160xf32, #tpu.memory_space<hbm>>
        tpu.wait_dma2 semaphore(%run_scoped3A : memref<!tpu.dma_semaphore, #tpu.memory_space<semaphore_mem>>) src(%arg9 : memref<160xf32, #tpu.memory_space<vmem>>) dst(%dma_wait3A_124 : memref<160xf32, #tpu.memory_space<hbm>>)
        tpu.yield
      }) : () -> ()
      %add3A_77 = arith.constant 2 : i32
      %add3A_78 = arith.addi %mul3A_35, %add3A_77 : i32
      %sub3A_79 = arith.constant 1 : i32
      %sub3A_80 = arith.subi %add3A_4, %sub3A_79 : i32
      %min3A_81 = arith.minsi %add3A_78, %sub3A_80 : i32
      %mul3A_82 = arith.constant 32 : i32
      %mul3A_83 = arith.muli %min3A_81, %mul3A_82 : i32
      %add3A_84 = arith.addi %add3A, %mul3A_83 : i32
      %mul3A_85 = arith.constant 160 : i32
      %mul3A_86 = arith.muli %add3A_84, %mul3A_85 : i32
      %dma_start3A_87 = arith.constant 0 : i32
      %dma_start3A_88 = tpu.memref_slice %arg3[%mul3A_86, %dma_start3A_87] : memref<100000x200xf32, #tpu.memory_space<hbm>> -> memref<160x200xf32, #tpu.memory_space<hbm>>
      %dma_start3A_89 = arith.constant 0 : i32
      %dma_start3A_90 = tpu.memref_slice %arg3[%mul3A_86, %dma_start3A_89] : memref<100000x200xf32, #tpu.memory_space<hbm>> -> memref<160x200xf32, #tpu.memory_space<hbm>>
      tpu.enqueue_dma source(%dma_start3A_90 : memref<160x200xf32, #tpu.memory_space<hbm>>) target(%arg5 : memref<160x200xf32, #tpu.memory_space<vmem>>) target_semaphore(%arg10 : memref<!tpu.dma_semaphore, #tpu.memory_space<semaphore_mem>>)
      %dma_start3A_91 = tpu.memref_slice %arg2[%mul3A_86] : memref<100000xi32, #tpu.memory_space<hbm>> -> memref<160xi32, #tpu.memory_space<hbm>>
      %dma_start3A_92 = tpu.memref_slice %arg2[%mul3A_86] : memref<100000xi32, #tpu.memory_space<hbm>> -> memref<160xi32, #tpu.memory_space<hbm>>
      tpu.enqueue_dma source(%dma_start3A_92 : memref<160xi32, #tpu.memory_space<hbm>>) target(%arg7 : memref<160xi32, #tpu.memory_space<vmem>>) target_semaphore(%arg12 : memref<!tpu.dma_semaphore, #tpu.memory_space<semaphore_mem>>)
      %dma_wait3A_93 = arith.constant 0 : i32
      %dma_wait3A_94 = arith.constant 0 : i32
      %dma_wait3A_95 = tpu.memref_slice %arg3[%dma_wait3A_93, %dma_wait3A_94] : memref<100000x200xf32, #tpu.memory_space<hbm>> -> memref<160x200xf32, #tpu.memory_space<hbm>>
      %dma_wait3A_96 = arith.constant 0 : i32
      %dma_wait3A_97 = arith.constant 0 : i32
      %dma_wait3A_98 = tpu.memref_slice %arg3[%dma_wait3A_96, %dma_wait3A_97] : memref<100000x200xf32, #tpu.memory_space<hbm>> -> memref<160x200xf32, #tpu.memory_space<hbm>>
      tpu.wait_dma2 semaphore(%arg11 : memref<!tpu.dma_semaphore, #tpu.memory_space<semaphore_mem>>) src(%dma_wait3A_98 : memref<160x200xf32, #tpu.memory_space<hbm>>) dst(%arg6 : memref<160x200xf32, #tpu.memory_space<vmem>>)
      %dma_wait3A_99 = arith.constant 0 : i32
      %dma_wait3A_100 = tpu.memref_slice %arg2[%dma_wait3A_99] : memref<100000xi32, #tpu.memory_space<hbm>> -> memref<160xi32, #tpu.memory_space<hbm>>
      %dma_wait3A_101 = arith.constant 0 : i32
      %dma_wait3A_102 = tpu.memref_slice %arg2[%dma_wait3A_101] : memref<100000xi32, #tpu.memory_space<hbm>> -> memref<160xi32, #tpu.memory_space<hbm>>
      tpu.wait_dma2 semaphore(%arg13 : memref<!tpu.dma_semaphore, #tpu.memory_space<semaphore_mem>>) src(%dma_wait3A_102 : memref<160xi32, #tpu.memory_space<hbm>>) dst(%arg8 : memref<160xi32, #tpu.memory_space<vmem>>)
      %add3A_103 = arith.constant 1 : i32
      %add3A_104 = arith.addi %mul3A_35, %add3A_103 : i32
      %scan3A_105 = arith.constant 0 : i32
      %scan3A_106 = arith.constant 0 : i32
      %scan3A_107 = arith.constant 10 : i32
      %scan3A_108 = arith.addi %scan3A_106, %scan3A_107 : i32
      %scan3A_109 = arith.constant 1 : i32
      %scan3A_110 = scf.for %scan3A_121 = %scan3A_106 to %scan3A_108 step %scan3A_109 iter_args(%scan3A_122 = %scan3A_105) -> (i32)  : i32 {
        %mul3A_123 = arith.constant 16 : i32
        %mul3A_124 = arith.muli %scan3A_121, %mul3A_123 : i32
        %add3A_125 = vector.broadcast %mul3A_124 : i32 to vector<16xi32>
        %add3A_126 = arith.addi %add3A_125, %iota3A : vector<16xi32>
        %broadcast_in_dim3A = arith.constant 0.000000e+00 : f32
        %broadcast_in_dim3A_127 = vector.broadcast %broadcast_in_dim3A : f32 to vector<16xf32>
        %broadcast_in_dim3A_128 = arith.constant 0.000000e+00 : f32
        %broadcast_in_dim3A_129 = vector.broadcast %broadcast_in_dim3A_128 : f32 to vector<16xf32>
        %broadcast_in_dim3A_130 = arith.constant 0.000000e+00 : f32
        %broadcast_in_dim3A_131 = vector.broadcast %broadcast_in_dim3A_130 : f32 to vector<16xf32>
        %broadcast_in_dim3A_132 = arith.constant 0.000000e+00 : f32
        %broadcast_in_dim3A_133 = vector.broadcast %broadcast_in_dim3A_132 : f32 to vector<16xf32>
        %broadcast_in_dim3A_134 = arith.constant 0.000000e+00 : f32
        %broadcast_in_dim3A_135 = vector.broadcast %broadcast_in_dim3A_134 : f32 to vector<16xf32>
        %broadcast_in_dim3A_136 = arith.constant 0.000000e+00 : f32
        %broadcast_in_dim3A_137 = vector.broadcast %broadcast_in_dim3A_136 : f32 to vector<16xf32>
        %broadcast_in_dim3A_138 = arith.constant 0.000000e+00 : f32
        %broadcast_in_dim3A_139 = vector.broadcast %broadcast_in_dim3A_138 : f32 to vector<16xf32>
        %broadcast_in_dim3A_140 = arith.constant 0.000000e+00 : f32
        %broadcast_in_dim3A_141 = vector.broadcast %broadcast_in_dim3A_140 : f32 to vector<16xf32>
        %parallel_loop3A = arith.constant 0 : i32
        %parallel_loop3A_142 = arith.constant 200 : i32
        %parallel_loop3A_143 = arith.constant 8 : i32
        %parallel_loop3A_144:8 = scf.for %parallel_loop3A_209 = %parallel_loop3A to %parallel_loop3A_142 step %parallel_loop3A_143 iter_args(%parallel_loop3A_210 = %broadcast_in_dim3A_127, %parallel_loop3A_211 = %broadcast_in_dim3A_129, %parallel_loop3A_212 = %broadcast_in_dim3A_131, %parallel_loop3A_213 = %broadcast_in_dim3A_133, %parallel_loop3A_214 = %broadcast_in_dim3A_135, %parallel_loop3A_215 = %broadcast_in_dim3A_137, %parallel_loop3A_216 = %broadcast_in_dim3A_139, %parallel_loop3A_217 = %broadcast_in_dim3A_141) -> (vector<16xf32>, vector<16xf32>, vector<16xf32>, vector<16xf32>, vector<16xf32>, vector<16xf32>, vector<16xf32>, vector<16xf32>)  : i32 {
          %parallel_loop3A_218 = arith.constant 0 : i32
          %parallel_loop3A_219 = arith.addi %parallel_loop3A_209, %parallel_loop3A_218 : i32
          %parallel_loop3A_220 = vector.broadcast %parallel_loop3A_219 : i32 to vector<16xi32>
          %parallel_loop3A_221 = arith.addi %iota3A, %parallel_loop3A_220 : vector<16xi32>
          %parallel_loop3A_222 = arith.constant 200 : i32
          %parallel_loop3A_223 = vector.broadcast %parallel_loop3A_222 : i32 to vector<16xi32>
          %parallel_loop3A_224 = arith.cmpi sge, %parallel_loop3A_221, %parallel_loop3A_223 : vector<16xi32>
          %parallel_loop3A_225 = arith.constant 200 : i32
          %parallel_loop3A_226 = vector.broadcast %parallel_loop3A_225 : i32 to vector<16xi32>
          %parallel_loop3A_227 = arith.subi %parallel_loop3A_221, %parallel_loop3A_226 : vector<16xi32>
          %parallel_loop3A_228 = arith.select %parallel_loop3A_224, %parallel_loop3A_227, %parallel_loop3A_221 : vector<16xi1>, vector<16xi32>
          %parallel_loop3A_229 = tpu.vector_load_idx %arg6[%add3A_126, %parallel_loop3A_228] : memref<160x200xf32, #tpu.memory_space<vmem>>[vector<16xi32>, vector<16xi32>], vector<16xf32>,
          %parallel_loop3A_230 = math.exp %parallel_loop3A_229 : vector<16xf32>
          %parallel_loop3A_231 = arith.addf %parallel_loop3A_210, %parallel_loop3A_230 : vector<16xf32>
          %parallel_loop3A_232 = arith.constant 1 : i32
          %parallel_loop3A_233 = arith.addi %parallel_loop3A_209, %parallel_loop3A_232 : i32
          %parallel_loop3A_234 = vector.broadcast %parallel_loop3A_233 : i32 to vector<16xi32>
          %parallel_loop3A_235 = arith.addi %iota3A, %parallel_loop3A_234 : vector<16xi32>
          %parallel_loop3A_236 = arith.constant 200 : i32
          %parallel_loop3A_237 = vector.broadcast %parallel_loop3A_236 : i32 to vector<16xi32>
          %parallel_loop3A_238 = arith.cmpi sge, %parallel_loop3A_235, %parallel_loop3A_237 : vector<16xi32>
          %parallel_loop3A_239 = arith.constant 200 : i32
          %parallel_loop3A_240 = vector.broadcast %parallel_loop3A_239 : i32 to vector<16xi32>
          %parallel_loop3A_241 = arith.subi %parallel_loop3A_235, %parallel_loop3A_240 : vector<16xi32>
          %parallel_loop3A_242 = arith.select %parallel_loop3A_238, %parallel_loop3A_241, %parallel_loop3A_235 : vector<16xi1>, vector<16xi32>
          %parallel_loop3A_243 = tpu.vector_load_idx %arg6[%add3A_126, %parallel_loop3A_242] : memref<160x200xf32, #tpu.memory_space<vmem>>[vector<16xi32>, vector<16xi32>], vector<16xf32>,
          %parallel_loop3A_244 = math.exp %parallel_loop3A_243 : vector<16xf32>
          %parallel_loop3A_245 = arith.addf %parallel_loop3A_211, %parallel_loop3A_244 : vector<16xf32>
          %parallel_loop3A_246 = arith.constant 2 : i32
          %parallel_loop3A_247 = arith.addi %parallel_loop3A_209, %parallel_loop3A_246 : i32
          %parallel_loop3A_248 = vector.broadcast %parallel_loop3A_247 : i32 to vector<16xi32>
          %parallel_loop3A_249 = arith.addi %iota3A, %parallel_loop3A_248 : vector<16xi32>
          %parallel_loop3A_250 = arith.constant 200 : i32
          %parallel_loop3A_251 = vector.broadcast %parallel_loop3A_250 : i32 to vector<16xi32>
          %parallel_loop3A_252 = arith.cmpi sge, %parallel_loop3A_249, %parallel_loop3A_251 : vector<16xi32>
          %parallel_loop3A_253 = arith.constant 200 : i32
          %parallel_loop3A_254 = vector.broadcast %parallel_loop3A_253 : i32 to vector<16xi32>
          %parallel_loop3A_255 = arith.subi %parallel_loop3A_249, %parallel_loop3A_254 : vector<16xi32>
          %parallel_loop3A_256 = arith.select %parallel_loop3A_252, %parallel_loop3A_255, %parallel_loop3A_249 : vector<16xi1>, vector<16xi32>
          %parallel_loop3A_257 = tpu.vector_load_idx %arg6[%add3A_126, %parallel_loop3A_256] : memref<160x200xf32, #tpu.memory_space<vmem>>[vector<16xi32>, vector<16xi32>], vector<16xf32>,
          %parallel_loop3A_258 = math.exp %parallel_loop3A_257 : vector<16xf32>
          %parallel_loop3A_259 = arith.addf %parallel_loop3A_212, %parallel_loop3A_258 : vector<16xf32>
          %parallel_loop3A_260 = arith.constant 3 : i32
          %parallel_loop3A_261 = arith.addi %parallel_loop3A_209, %parallel_loop3A_260 : i32
          %parallel_loop3A_262 = vector.broadcast %parallel_loop3A_261 : i32 to vector<16xi32>
          %parallel_loop3A_263 = arith.addi %iota3A, %parallel_loop3A_262 : vector<16xi32>
          %parallel_loop3A_264 = arith.constant 200 : i32
          %parallel_loop3A_265 = vector.broadcast %parallel_loop3A_264 : i32 to vector<16xi32>
          %parallel_loop3A_266 = arith.cmpi sge, %parallel_loop3A_263, %parallel_loop3A_265 : vector<16xi32>
          %parallel_loop3A_267 = arith.constant 200 : i32
          %parallel_loop3A_268 = vector.broadcast %parallel_loop3A_267 : i32 to vector<16xi32>
          %parallel_loop3A_269 = arith.subi %parallel_loop3A_263, %parallel_loop3A_268 : vector<16xi32>
          %parallel_loop3A_270 = arith.select %parallel_loop3A_266, %parallel_loop3A_269, %parallel_loop3A_263 : vector<16xi1>, vector<16xi32>
          %parallel_loop3A_271 = tpu.vector_load_idx %arg6[%add3A_126, %parallel_loop3A_270] : memref<160x200xf32, #tpu.memory_space<vmem>>[vector<16xi32>, vector<16xi32>], vector<16xf32>,
          %parallel_loop3A_272 = math.exp %parallel_loop3A_271 : vector<16xf32>
          %parallel_loop3A_273 = arith.addf %parallel_loop3A_213, %parallel_loop3A_272 : vector<16xf32>
          %parallel_loop3A_274 = arith.constant 4 : i32
          %parallel_loop3A_275 = arith.addi %parallel_loop3A_209, %parallel_loop3A_274 : i32
          %parallel_loop3A_276 = vector.broadcast %parallel_loop3A_275 : i32 to vector<16xi32>
          %parallel_loop3A_277 = arith.addi %iota3A, %parallel_loop3A_276 : vector<16xi32>
          %parallel_loop3A_278 = arith.constant 200 : i32
          %parallel_loop3A_279 = vector.broadcast %parallel_loop3A_278 : i32 to vector<16xi32>
          %parallel_loop3A_280 = arith.cmpi sge, %parallel_loop3A_277, %parallel_loop3A_279 : vector<16xi32>
          %parallel_loop3A_281 = arith.constant 200 : i32
          %parallel_loop3A_282 = vector.broadcast %parallel_loop3A_281 : i32 to vector<16xi32>
          %parallel_loop3A_283 = arith.subi %parallel_loop3A_277, %parallel_loop3A_282 : vector<16xi32>
          %parallel_loop3A_284 = arith.select %parallel_loop3A_280, %parallel_loop3A_283, %parallel_loop3A_277 : vector<16xi1>, vector<16xi32>
          %parallel_loop3A_285 = tpu.vector_load_idx %arg6[%add3A_126, %parallel_loop3A_284] : memref<160x200xf32, #tpu.memory_space<vmem>>[vector<16xi32>, vector<16xi32>], vector<16xf32>,
          %parallel_loop3A_286 = math.exp %parallel_loop3A_285 : vector<16xf32>
          %parallel_loop3A_287 = arith.addf %parallel_loop3A_214, %parallel_loop3A_286 : vector<16xf32>
          %parallel_loop3A_288 = arith.constant 5 : i32
          %parallel_loop3A_289 = arith.addi %parallel_loop3A_209, %parallel_loop3A_288 : i32
          %parallel_loop3A_290 = vector.broadcast %parallel_loop3A_289 : i32 to vector<16xi32>
          %parallel_loop3A_291 = arith.addi %iota3A, %parallel_loop3A_290 : vector<16xi32>
          %parallel_loop3A_292 = arith.constant 200 : i32
          %parallel_loop3A_293 = vector.broadcast %parallel_loop3A_292 : i32 to vector<16xi32>
          %parallel_loop3A_294 = arith.cmpi sge, %parallel_loop3A_291, %parallel_loop3A_293 : vector<16xi32>
          %parallel_loop3A_295 = arith.constant 200 : i32
          %parallel_loop3A_296 = vector.broadcast %parallel_loop3A_295 : i32 to vector<16xi32>
          %parallel_loop3A_297 = arith.subi %parallel_loop3A_291, %parallel_loop3A_296 : vector<16xi32>
          %parallel_loop3A_298 = arith.select %parallel_loop3A_294, %parallel_loop3A_297, %parallel_loop3A_291 : vector<16xi1>, vector<16xi32>
          %parallel_loop3A_299 = tpu.vector_load_idx %arg6[%add3A_126, %parallel_loop3A_298] : memref<160x200xf32, #tpu.memory_space<vmem>>[vector<16xi32>, vector<16xi32>], vector<16xf32>,
          %parallel_loop3A_300 = math.exp %parallel_loop3A_299 : vector<16xf32>
          %parallel_loop3A_301 = arith.addf %parallel_loop3A_215, %parallel_loop3A_300 : vector<16xf32>
          %parallel_loop3A_302 = arith.constant 6 : i32
          %parallel_loop3A_303 = arith.addi %parallel_loop3A_209, %parallel_loop3A_302 : i32
          %parallel_loop3A_304 = vector.broadcast %parallel_loop3A_303 : i32 to vector<16xi32>
          %parallel_loop3A_305 = arith.addi %iota3A, %parallel_loop3A_304 : vector<16xi32>
          %parallel_loop3A_306 = arith.constant 200 : i32
          %parallel_loop3A_307 = vector.broadcast %parallel_loop3A_306 : i32 to vector<16xi32>
          %parallel_loop3A_308 = arith.cmpi sge, %parallel_loop3A_305, %parallel_loop3A_307 : vector<16xi32>
          %parallel_loop3A_309 = arith.constant 200 : i32
          %parallel_loop3A_310 = vector.broadcast %parallel_loop3A_309 : i32 to vector<16xi32>
          %parallel_loop3A_311 = arith.subi %parallel_loop3A_305, %parallel_loop3A_310 : vector<16xi32>
          %parallel_loop3A_312 = arith.select %parallel_loop3A_308, %parallel_loop3A_311, %parallel_loop3A_305 : vector<16xi1>, vector<16xi32>
          %parallel_loop3A_313 = tpu.vector_load_idx %arg6[%add3A_126, %parallel_loop3A_312] : memref<160x200xf32, #tpu.memory_space<vmem>>[vector<16xi32>, vector<16xi32>], vector<16xf32>,
          %parallel_loop3A_314 = math.exp %parallel_loop3A_313 : vector<16xf32>
          %parallel_loop3A_315 = arith.addf %parallel_loop3A_216, %parallel_loop3A_314 : vector<16xf32>
          %parallel_loop3A_316 = arith.constant 7 : i32
          %parallel_loop3A_317 = arith.addi %parallel_loop3A_209, %parallel_loop3A_316 : i32
          %parallel_loop3A_318 = vector.broadcast %parallel_loop3A_317 : i32 to vector<16xi32>
          %parallel_loop3A_319 = arith.addi %iota3A, %parallel_loop3A_318 : vector<16xi32>
          %parallel_loop3A_320 = arith.constant 200 : i32
          %parallel_loop3A_321 = vector.broadcast %parallel_loop3A_320 : i32 to vector<16xi32>
          %parallel_loop3A_322 = arith.cmpi sge, %parallel_loop3A_319, %parallel_loop3A_321 : vector<16xi32>
          %parallel_loop3A_323 = arith.constant 200 : i32
          %parallel_loop3A_324 = vector.broadcast %parallel_loop3A_323 : i32 to vector<16xi32>
          %parallel_loop3A_325 = arith.subi %parallel_loop3A_319, %parallel_loop3A_324 : vector<16xi32>
          %parallel_loop3A_326 = arith.select %parallel_loop3A_322, %parallel_loop3A_325, %parallel_loop3A_319 : vector<16xi1>, vector<16xi32>
          %parallel_loop3A_327 = tpu.vector_load_idx %arg6[%add3A_126, %parallel_loop3A_326] : memref<160x200xf32, #tpu.memory_space<vmem>>[vector<16xi32>, vector<16xi32>], vector<16xf32>,
          %parallel_loop3A_328 = math.exp %parallel_loop3A_327 : vector<16xf32>
          %parallel_loop3A_329 = arith.addf %parallel_loop3A_217, %parallel_loop3A_328 : vector<16xf32>
          scf.yield %parallel_loop3A_231, %parallel_loop3A_245, %parallel_loop3A_259, %parallel_loop3A_273, %parallel_loop3A_287, %parallel_loop3A_301, %parallel_loop3A_315, %parallel_loop3A_329 : vector<16xf32>, vector<16xf32>, vector<16xf32>, vector<16xf32>, vector<16xf32>, vector<16xf32>, vector<16xf32>, vector<16xf32>
        } {sc.loop_unroll_factor = 1 : i64, sc.parallel_access}
        %add3A_145 = arith.addf %parallel_loop3A_144#0, %parallel_loop3A_144#1 : vector<16xf32>
        %add3A_146 = arith.addf %add3A_145, %parallel_loop3A_144#2 : vector<16xf32>
        %add3A_147 = arith.addf %add3A_146, %parallel_loop3A_144#3 : vector<16xf32>
        %add3A_148 = arith.addf %add3A_147, %parallel_loop3A_144#4 : vector<16xf32>
        %add3A_149 = arith.addf %add3A_148, %parallel_loop3A_144#5 : vector<16xf32>
        %add3A_150 = arith.addf %add3A_149, %parallel_loop3A_144#6 : vector<16xf32>
        %add3A_151 = arith.addf %add3A_150, %parallel_loop3A_144#7 : vector<16xf32>
        %mul3A_152 = arith.constant 16 : i32
        %mul3A_153 = arith.muli %scan3A_121, %mul3A_152 : i32
        %get3A = arith.index_cast %mul3A_153 : i32 to index
        %get3A_154 = tpu.vector_load %arg8[%get3A] {strides = array<i32>} : memref<160xi32, #tpu.memory_space<vmem>>, vector<16xi32>,
        %gather3A = tpu.vector_load_idx %arg6[%add3A_126, %get3A_154] : memref<160x200xf32, #tpu.memory_space<vmem>>[vector<16xi32>, vector<16xi32>], vector<16xf32>,
        %bitcast3A = vector.bitcast %add3A_151 : vector<16xf32> to vector<16xi32>
        %shift_right_arithmetic3A = arith.constant 23 : i32
        %shift_right_arithmetic3A_155 = vector.broadcast %shift_right_arithmetic3A : i32 to vector<16xi32>
        %shift_right_arithmetic3A_156 = arith.shrsi %bitcast3A, %shift_right_arithmetic3A_155 : vector<16xi32>
        %sub3A_157 = arith.constant 127 : i32
        %sub3A_158 = vector.broadcast %sub3A_157 : i32 to vector<16xi32>
        %sub3A_159 = arith.subi %shift_right_arithmetic3A_156, %sub3A_158 : vector<16xi32>
        %and3A = arith.constant 8388607 : i32
        %and3A_160 = vector.broadcast %and3A : i32 to vector<16xi32>
        %and3A_161 = arith.andi %bitcast3A, %and3A_160 : vector<16xi32>
        %or3A = arith.constant 1065353216 : i32
        %or3A_162 = vector.broadcast %or3A : i32 to vector<16xi32>
        %or3A_163 = arith.ori %and3A_161, %or3A_162 : vector<16xi32>
        %bitcast3A_164 = vector.bitcast %or3A_163 : vector<16xi32> to vector<16xf32>
        %gt3A = arith.constant 1.41421354 : f32
        %gt3A_165 = vector.broadcast %gt3A : f32 to vector<16xf32>
        %gt3A_166 = arith.cmpf ogt, %bitcast3A_164, %gt3A_165 : vector<16xf32>
        %mul3A_167 = arith.constant 5.000000e-01 : f32
        %mul3A_168 = vector.broadcast %mul3A_167 : f32 to vector<16xf32>
        %mul3A_169 = arith.mulf %bitcast3A_164, %mul3A_168 : vector<16xf32>
        %select_n3A_170 = arith.select %gt3A_166, %mul3A_169, %bitcast3A_164 : vector<16xi1>, vector<16xf32>
        %add3A_171 = arith.constant 1 : i32
        %add3A_172 = vector.broadcast %add3A_171 : i32 to vector<16xi32>
        %add3A_173 = arith.addi %sub3A_159, %add3A_172 : vector<16xi32>
        %select_n3A_174 = arith.select %gt3A_166, %add3A_173, %sub3A_159 : vector<16xi1>, vector<16xi32>
        %convert_element_type3A = arith.sitofp %select_n3A_174 : vector<16xi32> to vector<16xf32>
        %sub3A_175 = arith.constant 1.000000e+00 : f32
        %sub3A_176 = vector.broadcast %sub3A_175 : f32 to vector<16xf32>
        %sub3A_177 = arith.subf %select_n3A_170, %sub3A_176 : vector<16xf32>
        %add3A_178 = arith.constant 1.000000e+00 : f32
        %add3A_179 = vector.broadcast %add3A_178 : f32 to vector<16xf32>
        %add3A_180 = arith.addf %select_n3A_170, %add3A_179 : vector<16xf32>
        %div3A = arith.divf %sub3A_177, %add3A_180 : vector<16xf32>
        %mul3A_181 = arith.mulf %div3A, %div3A : vector<16xf32>
        %mul3A_182 = arith.constant 2.000000e+00 : f32
        %mul3A_183 = vector.broadcast %mul3A_182 : f32 to vector<16xf32>
        %mul3A_184 = arith.mulf %mul3A_183, %div3A : vector<16xf32>
        %mul3A_185 = arith.constant 0.142857149 : f32
        %mul3A_186 = vector.broadcast %mul3A_185 : f32 to vector<16xf32>
        %mul3A_187 = arith.mulf %mul3A_181, %mul3A_186 : vector<16xf32>
        %add3A_188 = arith.constant 2.000000e-01 : f32
        %add3A_189 = vector.broadcast %add3A_188 : f32 to vector<16xf32>
        %add3A_190 = arith.addf %add3A_189, %mul3A_187 : vector<16xf32>
        %mul3A_191 = arith.mulf %mul3A_181, %add3A_190 : vector<16xf32>
        %add3A_192 = arith.constant 0.333333343 : f32
        %add3A_193 = vector.broadcast %add3A_192 : f32 to vector<16xf32>
        %add3A_194 = arith.addf %add3A_193, %mul3A_191 : vector<16xf32>
        %mul3A_195 = arith.mulf %mul3A_181, %add3A_194 : vector<16xf32>
        %add3A_196 = arith.constant 1.000000e+00 : f32
        %add3A_197 = vector.broadcast %add3A_196 : f32 to vector<16xf32>
        %add3A_198 = arith.addf %add3A_197, %mul3A_195 : vector<16xf32>
        %mul3A_199 = arith.mulf %mul3A_184, %add3A_198 : vector<16xf32>
        %mul3A_200 = arith.constant 0.693147182 : f32
        %mul3A_201 = vector.broadcast %mul3A_200 : f32 to vector<16xf32>
        %mul3A_202 = arith.mulf %convert_element_type3A, %mul3A_201 : vector<16xf32>
        %add3A_203 = arith.addf %mul3A_202, %mul3A_199 : vector<16xf32>
        %sub3A_204 = arith.subf %gather3A, %add3A_203 : vector<16xf32>
        %mul3A_205 = arith.constant 16 : i32
        %mul3A_206 = arith.muli %scan3A_121, %mul3A_205 : i32
        %swap3A = arith.index_cast %mul3A_206 : i32 to index
        %swap3A_207 = tpu.vector_load %arg9[%swap3A] {strides = array<i32>} : memref<160xf32, #tpu.memory_space<vmem>>, vector<16xf32>,
        tpu.vector_store %arg9[%swap3A], %sub3A_204 {strides = array<i32>} : memref<160xf32, #tpu.memory_space<vmem>>, vector<16xf32>,
        %scan3A_208 = arith.constant 0 : i32
        scf.yield %scan3A_208 : i32
      }
      %scan3A_111 = arith.constant 10 : i32
      %sub3A_112 = arith.constant 1 : i32
      %sub3A_113 = arith.subi %add3A_4, %sub3A_112 : i32
      %min3A_114 = arith.minsi %add3A_104, %sub3A_113 : i32
      %mul3A_115 = arith.constant 32 : i32
      %mul3A_116 = arith.muli %min3A_114, %mul3A_115 : i32
      %add3A_117 = arith.addi %add3A, %mul3A_116 : i32
      %mul3A_118 = arith.constant 160 : i32
      %mul3A_119 = arith.muli %add3A_117, %mul3A_118 : i32
      "tpu.region"() ({
        %run_scoped3A = tpu.sem_alloc : memref<!tpu.dma_semaphore, #tpu.memory_space<semaphore_mem>>
        %dma_start3A_121 = tpu.memref_slice %arg4[%mul3A_119] : memref<100000xf32, #tpu.memory_space<hbm>> -> memref<160xf32, #tpu.memory_space<hbm>>
        %dma_start3A_122 = tpu.memref_slice %arg4[%mul3A_119] : memref<100000xf32, #tpu.memory_space<hbm>> -> memref<160xf32, #tpu.memory_space<hbm>>
        tpu.enqueue_dma source(%arg9 : memref<160xf32, #tpu.memory_space<vmem>>) target(%dma_start3A_122 : memref<160xf32, #tpu.memory_space<hbm>>) target_semaphore(%run_scoped3A : memref<!tpu.dma_semaphore, #tpu.memory_space<semaphore_mem>>)
        %dma_wait3A_123 = tpu.memref_slice %arg4[%mul3A_119] : memref<100000xf32, #tpu.memory_space<hbm>> -> memref<160xf32, #tpu.memory_space<hbm>>
        %dma_wait3A_124 = tpu.memref_slice %arg4[%mul3A_119] : memref<100000xf32, #tpu.memory_space<hbm>> -> memref<160xf32, #tpu.memory_space<hbm>>
        tpu.wait_dma2 semaphore(%run_scoped3A : memref<!tpu.dma_semaphore, #tpu.memory_space<semaphore_mem>>) src(%arg9 : memref<160xf32, #tpu.memory_space<vmem>>) dst(%dma_wait3A_124 : memref<160xf32, #tpu.memory_space<hbm>>)
        tpu.yield
      }) : () -> ()
      %scan3A_120 = arith.constant 0 : i32
      scf.yield %scan3A_120 : i32
    }
    %scan3A_22 = arith.constant 10 : i32
    %dma_wait3A = arith.constant 0 : i32
    %dma_wait3A_23 = arith.constant 0 : i32
    %dma_wait3A_24 = tpu.memref_slice %arg3[%dma_wait3A, %dma_wait3A_23] : memref<100000x200xf32, #tpu.memory_space<hbm>> -> memref<160x200xf32, #tpu.memory_space<hbm>>
    %dma_wait3A_25 = arith.constant 0 : i32
    %dma_wait3A_26 = arith.constant 0 : i32
    %dma_wait3A_27 = tpu.memref_slice %arg3[%dma_wait3A_25, %dma_wait3A_26] : memref<100000x200xf32, #tpu.memory_space<hbm>> -> memref<160x200xf32, #tpu.memory_space<hbm>>
    tpu.wait_dma2 semaphore(%arg10 : memref<!tpu.dma_semaphore, #tpu.memory_space<semaphore_mem>>) src(%dma_wait3A_27 : memref<160x200xf32, #tpu.memory_space<hbm>>) dst(%arg5 : memref<160x200xf32, #tpu.memory_space<vmem>>)
    %dma_wait3A_28 = arith.constant 0 : i32
    %dma_wait3A_29 = tpu.memref_slice %arg2[%dma_wait3A_28] : memref<100000xi32, #tpu.memory_space<hbm>> -> memref<160xi32, #tpu.memory_space<hbm>>
    %dma_wait3A_30 = arith.constant 0 : i32
    %dma_wait3A_31 = tpu.memref_slice %arg2[%dma_wait3A_30] : memref<100000xi32, #tpu.memory_space<hbm>> -> memref<160xi32, #tpu.memory_space<hbm>>
    tpu.wait_dma2 semaphore(%arg12 : memref<!tpu.dma_semaphore, #tpu.memory_space<semaphore_mem>>) src(%dma_wait3A_31 : memref<160xi32, #tpu.memory_space<hbm>>) dst(%arg7 : memref<160xi32, #tpu.memory_space<vmem>>)
    return
  }
}

</mosaic_0001>

<sc_bundles>
// kernel: _run.3.cloned.1.call-start
scs
__scs_entry_jumppad:
0x0: {  	(pc) =	sbr.rel $0x88, $3  }
0x1: {  	(tag) =	ssettag $0x0;
	lr =	simm.s32 $0x1  }
0x2: {  	[smem:$0x3F9F] =	sst lr;
	_ =	strace $0xD0000000  }
0x3: {  	_ = 	snop  }
0x4: {  	_ = 	snop  }
0x5: {  	_ = 	snop  }
0x6: {  	_ = 	snop  }
0x7: {  	_ = 	snop  }
__scs_overlays_trampoline_lowered:
0x8: {  	[smem:$0x3FAE] =	sst s0  }
0x9: {  	[smem:$0x3FAF] =	sst s1  }
0xa: {  	[smem:$0x3FB0] =	sst s2  }
0xb: {  	[smem:$0x3FB1] =	sst s3  }
0xc: {  	[smem:$0x3FB2] =	sst s4  }
0xd: {  	[smem:$0x3FB3] =	sst s5  }
0xe: {  	[smem:$0x3FB4] =	sst s6  }
0xf: {  	[smem:$0x3FB5] =	sst s7  }
0x10: {  	[smem:$0x3FB6] =	sst s8  }
0x11: {  	[smem:$0x3FB7] =	sst s9;
	s0 =	simm.s32 @!p0 $0x0  }
0x12: {  	s1 =	sld [smem:$0x3F9D];
	s0 =	simm.s32 @p0 $0x1  }
0x13: {  	[smem:$0x3FB8] =	sst s0;
	s0 =	simm.s32 @!p1 $0x0  }
0x14: {  	s2 =	sld [smem:$0x3F9C];
	s0 =	simm.s32 @p1 $0x1  }
0x15: {  	[smem:$0x3FB9] =	sst s0;
	s0 =	simm.s32 @!p2 $0x0  }
0x16: {  	s3 =	sld [smem:$0x3FDB];
	s0 =	simm.s32 @p2 $0x1  }
0x17: {  	s4 =	simm.s32 $0x1BF5;
	[smem:$0x3FBB] =	sst s0  }
0x18: {  	s0 =	sld [smem:$0x3F9E];
	_ =	swait.ge [sflag:s4], $0x0  }
0x19: {  	s7 =	sld [smem:$0x3F9F]  }
0x1a: {  	s8 =	sadd.s32 $0xFFFFE003, lr  }
0x1b: {  	s9 =	sadd.s32 $0xFFFFFEF7, lr;
	s5 =	simm.s32 $0xFFFFFFFF;
	p2 =	slt.u32 s8, $0xFFFFF086  }
0x1c: {  	p1 =	slt.u32 s9, $0xF7A;
	s5 =	simm.s32 @!p2 $0x0  }
0x1d: {  	s5 =	simm.s32 @p1 $0x1;
	p0 =	seq.s32 s7, s2  }
0x1e: {  	s7 =	smul.u32 @!p0 $0xF7A, s2;
	p2 =	seq.s32 @!p0 s5, $0x0  }
0x1f: {  	s9 =	smul.u32 $0xF7A, s1;
	s8 =	simm.s32 @!p0 $0x1BF5;
	p2 =	por !p2, p0  }
0x20: {  	[sflag:s8] =	ssyncset.s32 @!p0 $0xFFFFF086;
	s6 =	sadd.s32 @!p0 s3, s7;
	s7 =	simm.s32 @!p0 $0x108  }
0x21: {  	s3 =	sadd.s32 s3, s9;
	s6 =	sadd.s32 @!p0 $0x88, s6;
	s7 =	simm.s32 @p2 $0x1082  }
0x22: {  	[simem:s7], [sflag:s8] =	dma.local @!p0 [hbm:s6], $0xF7A  }
0x23: {  	s9 =	sor.u32 $0xD0000000, s2;
	s6 =	simm.s32 $0x108;
	_ =	swait.ge @!p0 [sflag:s8], $0x0  }
0x24: {  	s3 =	sadd.s32 $0x88, s3;
	s6 =	simm.s32 @!p1 $0x1082;
	[sflag:s4] =	ssyncset.s32 $0xFFFFF086  }
0x25: {  	[simem:s6], [sflag:s4] =	dma.local [hbm:s3], $0xF7A  }
0x26: {  	[smem:$0x3F9F] =	sst s1;
	(tag) =	ssettag s2;
	_ =	strace s9  }
0x27: {  	s1 =	sld [smem:$0x3FAF]  }
0x28: {  	s2 =	sld [smem:$0x3FB0]  }
0x29: {  	s4 =	sld [smem:$0x3FB2]  }
0x2a: {  	p0 =	seq.s32 s5, $0x0;
	s5 =	sld [smem:$0x3FB3]  }
0x2b: {  	s6 =	sld [smem:$0x3FB4]  }
0x2c: {  	s7 =	sld [smem:$0x3FB5]  }
0x2d: {  	s3 =	simm.s32 $0x108;
	s8 =	sld [smem:$0x3FB6]  }
0x2e: {  	s3 =	simm.s32 @!p0 $0x1082;
	s9 =	sld [smem:$0x3FB7]  }
0x2f: {  	lr =	sadd.s32 s0, s3;
	s0 =	sld [smem:$0x3FAE]  }
0x30: {  	s3 =	sld [smem:$0x3FB1]  }
0x31: {  	[smem:$0x3FBA] =	sst s10  }
0x32: {  	s10 =	sld [smem:$0x3FB8];
	_ =	sdelay $0x3  }
0x33: {  	p0 =	seq.s32 s10, $0x1;
	s10 =	sld [smem:$0x3FBA];
	_ =	sdelay $0x3  }
0x34: {  	[smem:$0x3FBA] =	sst s10  }
0x35: {  	s10 =	sld [smem:$0x3FB9];
	_ =	sdelay $0x3  }
0x36: {  	p1 =	seq.s32 s10, $0x1;
	s10 =	sld [smem:$0x3FBA];
	_ =	sdelay $0x3  }
0x37: {  	[smem:$0x3FBA] =	sst s10  }
0x38: {  	s10 =	sld [smem:$0x3FBB]  }
0x39: {  	_ = 	snop;
	(pc) =	sbr.ind lr, $3  }
0x3a: {  	_ = 	snop  }
0x3b: {  	_ = 	snop  }
0x3c: {  	p2 =	seq.s32 s10, $0x1;
	s10 =	sld [smem:$0x3FBA]  }
0x3d: {  	_ =	shalt  }
0x3e: {  	_ =	shalt  }
0x3f: {  	_ =	shalt  }
0x40: {  	_ =	shalt  }
0x41: {  	_ =	shalt  }
0x42: {  	_ =	shalt  }
0x43: {  	_ =	shalt  }
0x44: {  	_ =	shalt  }
0x45: {  	_ =	shalt  }
0x46: {  	_ =	shalt  }
0x47: {  	_ =	shalt  }
0x48: {  	_ =	shalt  }
0x49: {  	_ =	shalt  }
0x4a: {  	_ =	shalt  }
0x4b: {  	_ =	shalt  }
0x4c: {  	_ =	shalt  }
0x4d: {  	_ =	shalt  }
0x4e: {  	_ =	shalt  }
0x4f: {  	_ =	shalt  }
0x50: {  	_ =	shalt  }
0x51: {  	_ =	shalt  }
0x52: {  	_ =	shalt  }
0x53: {  	_ =	shalt  }
0x54: {  	_ =	shalt  }
0x55: {  	_ =	shalt  }
0x56: {  	_ =	shalt  }
0x57: {  	_ =	shalt  }
0x58: {  	_ =	shalt  }
0x59: {  	_ =	shalt  }
0x5a: {  	_ =	shalt  }
0x5b: {  	_ =	shalt  }
0x5c: {  	_ =	shalt  }
0x5d: {  	_ =	shalt  }
0x5e: {  	_ =	shalt  }
0x5f: {  	_ =	shalt  }
0x60: {  	_ =	shalt  }
0x61: {  	_ =	shalt  }
0x62: {  	_ =	shalt  }
0x63: {  	_ =	shalt  }
0x64: {  	_ =	shalt  }
0x65: {  	_ =	shalt  }
0x66: {  	_ =	shalt  }
0x67: {  	_ =	shalt  }
0x68: {  	_ =	shalt  }
0x69: {  	_ =	shalt  }
0x6a: {  	_ =	shalt  }
0x6b: {  	_ =	shalt  }
0x6c: {  	_ =	shalt  }
0x6d: {  	_ =	shalt  }
0x6e: {  	_ =	shalt  }
0x6f: {  	_ =	shalt  }
0x70: {  	_ =	shalt  }
0x71: {  	_ =	shalt  }
0x72: {  	_ =	shalt  }
0x73: {  	_ =	shalt  }
0x74: {  	_ =	shalt  }
0x75: {  	_ =	shalt  }
0x76: {  	_ =	shalt  }
0x77: {  	_ =	shalt  }
0x78: {  	_ =	shalt  }
0x79: {  	_ =	shalt  }
0x7a: {  	_ =	shalt  }
0x7b: {  	_ =	shalt  }
0x7c: {  	_ =	shalt  }
0x7d: {  	_ =	shalt  }
0x7e: {  	_ =	shalt  }
0x7f: {  	_ =	shalt  }
0x80: {  	_ =	shalt  }
0x81: {  	_ =	shalt  }
0x82: {  	_ =	shalt  }
0x83: {  	_ =	shalt  }
0x84: {  	_ =	shalt  }
0x85: {  	_ =	shalt  }
0x86: {  	_ =	shalt  }
0x87: {  	_ =	shalt  }
.Lfunc_end0:
.L_simem_size_0:
called_computation_lowered:
.L_overlay_start_0:
0x88: {  	s2 =	sld [smem:$0x3FD9]  }
0x89: {  	s3 =	sld [smem:$0x3FFE];
	_ =	sdelay $0x1  }
0x8a: {  	s1 =	srdreg.scid  }
0x8b: {  	s0 =	sand.u32 $0x1, s1  }
0x8c: {  	s17 =	sshll.u32 s0, $0xA;
	s2 =	sadd.s32 s3, s2  }
0x8d: {  	s2 =	sadd.s32 s2, s17  }
0x8e: {  	[smem:$0x3FC6] =	sst s2  }
0x8f: {  	_ = 	snop  }
0x90: {  	s2 =	sld [smem:$0x3FC9]  }
0x91: {  	s18 =	sld [smem:$0x3FD0];
	(tm) =	ssettm $0x1  }
0x92: {  	s4 =	sld [smem:$0x3FFB];
	_ =	sdelay $0x3  }
0x93: {  	_ =	strace s4  }
0x94: {  	s4 =	sld [smem:$0x3FFC];
	_ =	sdelay $0x3  }
0x95: {  	_ =	strace s4  }
0x96: {  	s4 =	sld [smem:$0x3FFD];
	_ =	sdelay $0x3  }
0x97: {  	_ =	strace s4  }
0x98: {  	_ =	strace $0x8FFFFFFF  }
0x99: {  	s19 =	sld [smem:$0x3FDB];
	_ =	sdelay $0x1  }
0x9a: {  	s5 =	simm.s32 $_scs_section_size  }
0x9b: {  	s6 =	simm.s32 $_size__tile_overlayer_lowered;
	s7 =	simm.s32 $_tile_overlayer_lowered  }
0x9c: {  	s22 =	simm.s32 $0x1BFF;
	s21 =	sshll.u32 s7, $0x1;
	s4 =	sadd.s32 s5, s19  }
0x9d: {  	s8 =	simm.s32 $0x0;
	s20 =	sshll.u32 s6, $0x1;
	s6 =	sadd.s32 s21, s4  }
0x9e: {  	[timem:s8], [sflag:s22] =	dma.local [hbm:s6], s20  }
0x9f: {  	_ =	swait.ge [sflag:s22], s20  }
0xa0: {  	s5 =	ssub.s32 $0x0, s20;
	[sflag:s22] =	ssyncset.done $0x0  }
0xa1: {  	[sflag:s22] =	ssyncadd.s32 s5;
	_ =	sdelay $0x1  }
0xa2: {  	s23 =	simm.s32 $0x1B8B  }
0xa3: {  	_ =	swait.ge [sflag:s23], $0x1  }
0xa4: {  	[sflag:s23] =	ssyncset.done $0x0  }
0xa5: {  	s25 =	simm.s32 $0x1B8E;
	s24 =	sld [smem:$0x3FFE];
	[sflag:s23] =	ssyncadd.s32 $0xFFFFFFFF  }
0xa6: {  	s26 =	simm.s32 $execute0_lowered;
	[smem:$0x3FD2] =	sst s25  }
0xa7: {  	s6 =	sshll.u32 s26, $0x1;
	_ =	strace $0x80000046;
	[dreg:$0x1] =	wrdreg $0xFFFFFFFF  }
0xa8: {  	s28 =	simm.s32 $_size_execute0_lowered;
	s4 =	sadd.s32 s4, s6;
	[dreg:$0x0] =	wrdreg $0x0  }
0xa9: {  	s6 =	sshll.u32 s28, $0x1;
	[dreg:$0x2] =	wrdreg s4  }
0xaa: {  	[dreg:$0x3] =	wrdreg s6  }
0xab: {  	[dreg:$0x4] =	wrdreg $0xC0  }
0xac: {  	_ =	task [dreg:s8], $0x5FFFF  }
0xad: {  	[dreg:$0x1] =	wrdreg $0xFFFFFFFF  }
0xae: {  	[dreg:$0x0] =	wrdreg $0x60  }
0xaf: {  	[dreg:$0x2] =	wrdreg s2  }
0xb0: {  	[dreg:$0x3] =	wrdreg s24  }
0xb1: {  	[dreg:$0x4] =	wrdreg s18  }
0xb2: {  	[dreg:$0x5] =	wrdreg $0x9  }
0xb3: {  	_ =	task.clear_ibuf [dreg:s8], $0x6FFFF;
	_ =	strace $0x90000046  }
0xb4: {  	s29 =	simm.s32 $0x9;
	_ =	strace $0x80000048  }
0xb5: {  	_ =	swait.ge [sflag:s29], $0x1  }
0xb6: {  	[sflag:s29] =	ssyncadd.s32 $0xFFFFFFFF  }
0xb7: {  	_ =	strace $0x90000048  }
0xb8: {  	_ =	sfence  }
0xb9: {  	s30 =	sld [smem:$0x0];
	_ =	sdelay $0x2  }
0xba: {  	s31 =	sshll.u32 s1, $0xD;
	s1 =	sshrl.u32 s1, $0x2  }
0xbb: {  	s3 =	sand.u32 $0x4000, s31;
	s1 =	sadd.s32 s1, s30  }
0xbc: {  	s0 =	sor.u32 s3, s0;
	s1 =	sshll.u32 s1, $0x11  }
0xbd: {  	s0 =	sor.u32 s1, s0  }
0xbe: {  	s0 =	sadd.s32 $0x8F2B, s0  }
0xbf: {  	[sflag:s0] =	ssyncadd.remote.s32 $0x1  }
0xc0: {  	_ =	sfence.sel $0xFFFF  }
0xc1: {  	[dreg:$0x0] =	wrdreg $0xFFFFFFFF;
	(pc) =	sbr.abs _section_cstart, $3  }
0xc2: {  	[dreg:$0x1] =	wrdreg $0xFFFFFFFF  }
0xc3: {  	_ =	task.clear_ibuf [dreg:s8], $0x2FFFF;
	_ =	strace $0x9FFFFFFF  }
0xc4: {  	(tm) =	ssettm $0x7FFFFFFF  }
0xc5: {  	_ =	shalt  }
tec
execute0_lowered:
.L_overlay_start_1:
0x0: {  	(tag) =	ssettag $0x1  }
0x1: {  	s1 =	rddreg [dreg:$0x0]  }
0x2: {  	s6 =	rddreg [dreg:$0x1]  }
0x3: {  	s2 =	rddreg [dreg:$0x2]  }
0x4: {  	s3 =	srdreg.scid;
	s4 =	simm.s32 $0x0;
	s0 =	stileid.u32  }
0x5: {  	s13 =	simm.s32 $0x14100;
	s14 =	simm.s32 $0x1;
	s15 =	simm.s32 $0x3  }
0x6: {  	s16 =	simm.s32 $0x14200;
	s17 =	simm.s32 $0x5;
	s18 =	simm.s32 $0x2  }
0x7: {  	s19 =	simm.s32 $0x4;
	s20 =	simm.s32 $0x0;
	s5 =	sand.u32 $0x1, s3  }
0x8: {  	[smem:$0x7FF] =	sst s4;
	s7 =	sshll.u32 s5, $0x4;
	s8 =	ssub.s32 $0x2, s5  }
0x9: {  	s6 =	sadd.s32 $0x400, s6;
	s5 =	sor.u32 s0, s7;
	s9 =	sshrl.u32 s8, $0x1  }
0xa: {  	_ =	strace $0x80000047;
	s10 =	smul.u32 $0x1400, s5;
	s12 =	ssub.s32 s8, s9  }
0xb: {  	s7 =	simm.s32 $0x13;
	s11 =	smul.u32 $0x14, s5;
	s31 =	smax.u32 s12, $0x1  }
0xc: {  	v0 =	vlaneseq.u32;
	p0 =	slt.u32 s5, $0x11;
	s29 =	sadd.s32 s6, s10;
	[dreg:$0x6] =	wrdreg s31  }
0xd: {  	v4 =	vimm.s32 $0xFFFFFF81;
	v2 =	vand.u32 $0x7, v0;
	s7 =	simm.s32 @!p0 $0x12;
	s30 =	sadd.s32 s1, s11;
	[dreg:$0x4] =	wrdreg s29  }
0xe: {  	v1 =	vmul.u32 $0x100, v0;
	v3 =	vadd.s32 $0xFFFFFF38, v0;
	v2 =	vmul.u32 $0x80, v2;
	s12 =	simm.s32 $0xA000;
	s11 =	simm.s32 $0x14000;
	[dreg:$0x5] =	wrdreg s30  }
.LBB2_1:
0xf: {  	s0 =	rddreg [dreg:$0x4]  }
0x10: {  	[tilespmem:s4], [sflag:$0x1] =	stream.linear.gather [hbm4b:s0+s4], $0xA000, $0x38;
	[tilespmem:$0x14300] =	vst v63  }
0x11: {  	s31 =	rddreg [dreg:$0x5];
	s21 =	simm.s32 $0x0  }
0x12: {  	[tilespmem:s11], [sflag:$0x3] =	stream.linear.gather [hbm4b:s31+s4], $0xA0, $0x38;
	[tilespmem:$0x14300] =	vst v63  }
.LBB2_2:
0x13: {  	s22 =	sshllo.u32 s21, $0x1  }
0x14: {  	s22 =	smin.u32 s22, s7  }
0x15: {  	s22 =	sshll.u32 s22, $0x5  }
0x16: {  	s22 =	sor.u32 s5, s22  }
0x17: {  	s23 =	smul.u32 $0x1400, s22;
	_ =	sdelay $0x1  }
0x18: {  	s22 =	smul.u32 $0x14, s22;
	s24 =	sadd.s32 s6, s23;
	s23 =	simm.s32 $0x0  }
0x19: {  	[tilespmem:s12], [sflag:$0x2] =	stream.linear.gather [hbm4b:s24+s23], $0xA000, $0x38;
	[tilespmem:$0x14300] =	vst v63  }
0x1a: {  	s31 =	sadd.s32 s1, s22  }
0x1b: {  	[tilespmem:s13], [sflag:$0x4] =	stream.linear.gather [hbm4b:s31+s23], $0xA0, $0x38;
	[tilespmem:$0x14300] =	vst v63  }
0x1c: {  	_ =	swait.ge [sflag:s14], $0xA000  }
0x1d: {  	[sflag:s14] =	ssyncset.done $0x0  }
0x1e: {  	[sflag:s14] =	ssyncadd.s32 $0xFFFF6000  }
0x1f: {  	_ =	swait.ge [sflag:s15], $0xA0  }
0x20: {  	[sflag:s15] =	ssyncset.done $0x0  }
0x21: {  	s25 =	simm.s32 $0x0;
	s24 =	sshll.u32 s21, $0x1;
	[sflag:s15] =	ssyncadd.s32 $0xFFFFFF60  }
.LBB2_3:
0x22: {  	s26 =	sshll.u32 s25, $0x4  }
0x23: {  	s28 =	simm.s32 $0x1;
	v8 =	vadd.s32 s23, v3;
	s29 =	simm.s32 $0x2;
	s30 =	simm.s32 $0x3;
	v10 =	vadd.s32 s23, v0;
	v5 =	vmov s26  }
0x24: {  	s31 =	simm.s32 $0x4;
	s0 =	simm.s32 $0x5;
	v9 =	vadd.s32 s28, v0;
	v11 =	vadd.s32 s29, v0;
	v12 =	vadd.s32 s30, v3  }
0x25: {  	s3 =	simm.s32 $0x7;
	s9 =	simm.s32 $0x6;
	vm0 =	vgt.u32 v10, $0xC7;
	v13 =	vadd.s32 s31, v0;
	v14 =	vadd.s32 s0, v0  }
0x26: {  	s8 =	simm.s32 $0xF;
	v15 =	vadd.s32 s3, v0;
	v17 =	vadd.s32 s30, v0;
	v18 =	vadd.s32 s9, v3  }
0x27: {  	v19 =	vadd.s32 s3, v3;
	v20 =	vadd.s32 s0, v3;
	v23 =	vadd.s32 s8, v0  }
0x28: {  	v25 =	vadd.s32 s8, v3;
	v5 =	vshll.u32 v5, $0x8;
	v8 =	vsel vm0, v8, v10  }
0x29: {  	v10 =	vadd.s32 s29, v3;
	vm15 =	vgt.u32 v15, $0xC7;
	vm1 =	vgt.u32 v17, $0xC7  }
0x2a: {  	vm3 =	vgt.u32 v14, $0xC7;
	vm6 =	vgt.u32 v13, $0xC7;
	v5 =	vor.u32 v1, v5  }
0x2b: {  	v16 =	vshll.u32 v8, $0x3;
	v8 =	vand.u32 $0x7F, v8;
	v12 =	vsel vm1, v12, v17  }
0x2c: {  	v17 =	vadd.s32 s31, v3;
	v14 =	vsel vm3, v20, v14;
	v5 =	vand.u32 $0xF800, v5  }
0x2d: {  	v16 =	vand.u32 $0xFFFFFC00, v16;
	v20 =	vshll.u32 v12, $0x3;
	v12 =	vand.u32 $0x7F, v12  }
0x2e: {  	v13 =	vsel vm6, v17, v13;
	v7 =	vor.u32 v2, v5;
	v20 =	vand.u32 $0xFFFFFC00, v20  }
0x2f: {  	v22 =	vand.u32 $0x7F, v13;
	v13 =	vshll.u32 v13, $0x3;
	v16 =	vadd.s32 v7, v16  }
0x30: {  	v20 =	vadd.s32 v7, v20;
	v13 =	vand.u32 $0xFFFFFC00, v13;
	v8 =	vor.u32 v8, v16  }
0x31: {  	vm2 =	vgt.u32 v11, $0xC7;
	v12 =	vor.u32 v12, v20;
	v13 =	vadd.s32 v7, v13  }
0x32: {  	vm5 =	vgt.u32 v9, $0xC7;
	vm9 =	vgt.u32 v23, $0xC7;
	v13 =	vor.u32 v22, v13  }
0x33: {  	v15 =	vsel vm15, v19, v15;
	v19 =	vadd.s32 s28, v3;
	v10 =	vsel vm2, v10, v11  }
0x34: {  	v23 =	vsel vm9, v25, v23;
	v21 =	vshll.u32 v14, $0x3;
	v9 =	vsel vm5, v19, v9  }
0x35: {  	v17 =	vshll.u32 v15, $0x3;
	v15 =	vand.u32 $0x7F, v15;
	v19 =	vshll.u32 v9, $0x3;
	v8 =	vld.idx.msk [tilespmem:v8+s4+$0x0], $0xffff  }
0x36: {  	v17 =	vand.u32 $0xFFFFFC00, v17;
	v9 =	vand.u32 $0x7F, v9;
	v16 =	vadd.s32 s9, v0;
	s9 =	simm.s32 $0xD;
	v12 =	vld.idx.msk [tilespmem:v12+s4+$0x0], $0xffff  }
0x37: {  	s28 =	simm.s32 $0xA;
	v19 =	vand.u32 $0xFFFFFC00, v19;
	vm7 =	vgt.u32 v16, $0xC7;
	v20 =	vadd.s32 s9, v0;
	v13 =	vld.idx.msk [tilespmem:v13+s4+$0x0], $0xffff  }
0x38: {  	v22 =	vadd.s32 s28, v3;
	v27 =	vadd.s32 s9, v3;
	v16 =	vsel vm7, v18, v16  }
0x39: {  	v18 =	vadd.s32 s28, v0;
	vm12 =	vgt.u32 v20, $0xC7;
	v11 =	vshll.u32 v16, $0x3  }
0x3a: {  	vm11 =	vgt.u32 v18, $0xC7;
	v11 =	vand.u32 $0xFFFFFC00, v11;
	v8 =	vmul.f32 $1.442695020e+00, v8  }
0x3b: {  	v20 =	vsel vm12, v27, v20;
	v11 =	vadd.s32 v7, v11;
	v12 =	vmul.f32 $1.442695020e+00, v12  }
0x3c: {  	s10 =	simm.s32 $0x8;
	v13 =	vmul.f32 $1.442695020e+00, v13;
	(erf) = vpow2.f32 v8;
	v8 =	vand.u32 $0x7F, v16  }
0x3d: {  	v16 =	vadd.s32 v7, v17;
	v17 =	vand.u32 $0xFFFFFC00, v21;
	v21 =	vadd.s32 s10, v0  }
0x3e: {  	v8 =	vor.u32 v8, v11;
	v11 =	vand.u32 $0x7F, v14;
	v14 =	vadd.s32 v7, v17  }
0x3f: {  	s3 =	simm.s32 $0x9;
	v15 =	vor.u32 v15, v16;
	v16 =	vshll.u32 v10, $0x3;
	v10 =	vand.u32 $0x7F, v10  }
0x40: {  	s29 =	simm.s32 $0xB;
	v17 =	vadd.s32 s3, v0;
	v11 =	vor.u32 v11, v14;
	v14 =	vadd.s32 v7, v19  }
0x41: {  	s30 =	simm.s32 $0xC;
	(erf) = vpow2.f32 v12;
	v12 =	vadd.s32 s29, v3;
	v9 =	vor.u32 v9, v14  }
0x42: {  	vm8 =	vgt.u32 v21, $0xC7;
	v19 =	vadd.s32 s30, v0;
	v14 =	vand.u32 $0xFFFFFC00, v16  }
0x43: {  	vm13 =	vgt.u32 v17, $0xC7;
	v16 =	vadd.s32 s10, v3;
	v14 =	vadd.s32 v7, v14  }
0x44: {  	(erf) = vpow2.f32 v13;
	v10 =	vor.u32 v10, v14;
	v14 =	vsel vm8, v16, v21  }
0x45: {  	v13 =	vshll.u32 v23, $0x3;
	s10 =	simm.s32 $0xE;
	vm14 =	vgt.u32 v19, $0xC7;
	v8 =	vld.idx.msk [tilespmem:v8+s4+$0x0], $0xffff;
	v24 =	vshll.u32 v14, $0x3  }
0x46: {  	v13 =	vand.u32 $0xFFFFFC00, v13;
	v26 =	vadd.s32 s10, v0;
	v24 =	vand.u32 $0xFFFFFC00, v24;
	v9 =	vld.idx.msk [tilespmem:v9+s4+$0x0], $0xffff  }
0x47: {  	v16 =	vadd.s32 s29, v0;
	v15 =	vld.idx.msk [tilespmem:v15+s4+$0x0], $0xffff;
	v14 =	vand.u32 $0x7F, v14;
	v24 =	vadd.s32 v7, v24  }
0x48: {  	v13 =	vadd.s32 v7, v13;
	vm10 =	vgt.u32 v16, $0xC7;
	v11 =	vld.idx.msk [tilespmem:v11+s4+$0x0], $0xffff;
	v14 =	vor.u32 v14, v24  }
0x49: {  	v21 =	vadd.s32 s10, v3;
	v12 =	vsel vm10, v12, v16;
	v16 =	vadd.s32 s30, v3;
	v10 =	vld.idx.msk [tilespmem:v10+s4+$0x0], $0xffff  }
0x4a: {  	vm15 =	vgt.u32 v26, $0xC7;
	v27 =	vand.u32 $0x7F, v12;
	v16 =	vsel vm14, v16, v19  }
0x4b: {  	v12 =	vshll.u32 v12, $0x3;
	v24 =	vadd.s32 s3, v3;
	v9 =	vmul.f32 $1.442695020e+00, v9  }
0x4c: {  	v12 =	vand.u32 $0xFFFFFC00, v12;
	v8 =	vmul.f32 $1.442695020e+00, v8;
	v15 =	vmul.f32 $1.442695020e+00, v15  }
0x4d: {  	v12 =	vadd.s32 v7, v12;
	v11 =	vmul.f32 $1.442695020e+00, v11;
	(erf) = vpow2.f32 v9;
	v9 =	vld.idx.msk [tilespmem:v14+s4+$0x0], $0xffff  }
0x4e: {  	v14 =	vand.u32 $0x7F, v16;
	v10 =	vmul.f32 $1.442695020e+00, v10;
	(erf) = vpow2.f32 v15  }
0x4f: {  	v16 =	vshll.u32 v16, $0x3;
	v15 =	vsel vm13, v24, v17;
	(erf) = vpow2.f32 v11  }
0x50: {  	v17 =	vsel vm15, v21, v26;
	v11 =	vor.u32 v27, v12;
	(erf) = vpow2.f32 v8  }
0x51: {  	v26 =	vpop (erf);
	v8 =	vand.u32 $0xFFFFFC00, v16;
	v16 =	vsel vm11, v22, v18;
	v18 =	vshll.u32 v17, $0x3  }
0x52: {  	v22 =	vpop (erf);
	v18 =	vand.u32 $0xFFFFFC00, v18;
	(erf) = vpow2.f32 v10;
	v9 =	vmul.f32 $1.442695020e+00, v9  }
0x53: {  	v10 =	vadd.s32 v7, v8;
	v8 =	vadd.s32 v7, v18;
	v18 =	vand.u32 $0x7F, v23  }
0x54: {  	v6 =	vimm.f32 $0.0e+00;
	v12 =	vshll.u32 v15, $0x3;
	v13 =	vor.u32 v18, v13  }
0x55: {  	v25 =	vshll.u32 v20, $0x3;
	v12 =	vand.u32 $0xFFFFFC00, v12;
	(erf) = vpow2.f32 v9  }
0x56: {  	v19 =	vand.u32 $0xFFFFFC00, v25;
	v17 =	vand.u32 $0x7F, v17;
	v12 =	vadd.s32 v7, v12;
	v24 =	vld.idx.msk [tilespmem:v11+s4+$0x0], $0xffff;
	v9 =	vpop (erf)  }
0x57: {  	v25 =	vor.u32 v17, v8;
	v17 =	vadd.s32 v7, v19;
	v11 =	vand.u32 $0x7F, v20;
	v23 =	vpop (erf)  }
0x58: {  	v19 =	vor.u32 v14, v10;
	v21 =	vor.u32 v11, v17;
	v9 =	vadd.f32 v9, v6;
	v8 =	vpop (erf)  }
0x59: {  	v11 =	vand.u32 $0x7F, v15;
	v17 =	vld.idx.msk [tilespmem:v13+s4+$0x0], $0xffff;
	v13 =	vadd.f32 v23, v6;
	v8 =	vadd.f32 v8, v6;
	v18 =	vpop (erf)  }
0x5a: {  	v10 =	vadd.f32 v18, v6;
	v14 =	vpop (erf);
	v18 =	vor.u32 v11, v12;
	v12 =	vshll.u32 v16, $0x3  }
0x5b: {  	v24 =	vmul.f32 $1.442695020e+00, v24;
	v11 =	vadd.f32 v14, v6;
	v14 =	vand.u32 $0xFFFFFC00, v12  }
0x5c: {  	s28 =	simm.s32 $0x10;
	v20 =	vld.idx.msk [tilespmem:v25+s4+$0x0], $0xffff;
	v12 =	vadd.f32 v22, v6;
	v23 =	vpop (erf);
	v22 =	vadd.s32 v7, v14;
	v14 =	vadd.f32 v26, v6  }
.LBB2_4:
0x5d: {  	s29 =	sadd.s32 $0x1, s28  }
0x5e: {  	v25 =	vadd.s32 s28, v3;
	s0 =	sadd.s32 $0x2, s28;
	s3 =	sadd.s32 $0x3, s28;
	v16 =	vand.u32 $0x7F, v16;
	v21 =	vld.idx.msk [tilespmem:v21+s4+$0x0], $0xffff;
	v15 =	vpop (erf);
	v6 =	vadd.f32 v23, v6;
	s8 =	smov.u32 s28  }
0x5f: {  	s30 =	sadd.s32 $0x4, s28;
	s31 =	sadd.s32 $0x5, s28;
	s9 =	sadd.s32 $0x6, s28;
	v23 =	vadd.s32 s29, v0;
	v26 =	vadd.s32 s0, v0;
	v19 =	vld.idx.msk [tilespmem:v19+s4+$0x0], $0xffff;
	(erf) = vpow2.f32 v24  }
0x60: {  	p0 =	slt.u32 s28, $0xC0;
	s28 =	sadd.s32 $0x8, s28;
	v24 =	vadd.s32 s3, v3;
	v27 =	vadd.s32 s30, v0;
	v28 =	vadd.s32 s31, v0;
	s10 =	sadd.s32 $0x7, s8  }
0x61: {  	v29 =	vadd.s32 s8, v0;
	v30 =	vadd.s32 s0, v3;
	v31 =	vadd.s32 s10, v0  }
0x62: {  	v16 =	vor.u32 v16, v22;
	vm0 =	vgt.u32 v29, $0xC7;
	vm1 =	vgt.u32 v31, $0xC7  }
0x63: {  	v22 =	vsel vm0, v25, v29;
	v25 =	vadd.s32 s3, v0;
	v29 =	vadd.s32 s9, v3  }
0x64: {  	v33 =	vadd.s32 s10, v3;
	v32 =	vshll.u32 v22, $0x3;
	v20 =	vmul.f32 $1.442695020e+00, v20;
	v18 =	vld.idx.msk [tilespmem:v18+s4+$0x0], $0xffff  }
0x65: {  	v34 =	vadd.s32 s9, v0;
	vm2 =	vgt.u32 v25, $0xC7;
	v32 =	vand.u32 $0xFFFFFC00, v32  }
0x66: {  	vm3 =	vgt.u32 v28, $0xC7;
	vm0 =	vgt.u32 v26, $0xC7;
	v36 =	vadd.s32 v7, v32  }
0x67: {  	v35 =	vadd.s32 s31, v3;
	v17 =	vmul.f32 $1.442695020e+00, v17;
	v22 =	vand.u32 $0x7F, v22;
	v16 =	vld.idx.msk [tilespmem:v16+s4+$0x0], $0xffff  }
0x68: {  	v24 =	vsel vm2, v24, v25;
	v25 =	vadd.s32 s30, v3;
	v22 =	vor.u32 v22, v36;
	v32 =	vpop (erf)  }
0x69: {  	v28 =	vsel vm3, v35, v28;
	v31 =	vsel vm1, v33, v31;
	v19 =	vmul.f32 $1.442695020e+00, v19  }
0x6a: {  	vm1 =	vgt.u32 v23, $0xC7;
	vm2 =	vgt.u32 v27, $0xC7;
	v21 =	vmul.f32 $1.442695020e+00, v21  }
0x6b: {  	v33 =	vadd.s32 s29, v3;
	v35 =	vshll.u32 v28, $0x3;
	v18 =	vmul.f32 $1.442695020e+00, v18  }
0x6c: {  	v25 =	vsel vm2, v25, v27;
	v36 =	vand.u32 $0x7F, v24;
	(erf) = vpow2.f32 v19  }
0x6d: {  	v19 =	vld.idx.msk [tilespmem:v22+s4+$0x0], $0xffff;
	v22 =	vshll.u32 v24, $0x3;
	v24 =	vshll.u32 v31, $0x3;
	(erf) = vpow2.f32 v18  }
0x6e: {  	v18 =	vand.u32 $0xFFFFFC00, v22;
	v22 =	vand.u32 $0x7F, v25;
	(erf) = vpow2.f32 v17  }
0x6f: {  	v17 =	vsel vm1, v33, v23;
	v18 =	vadd.s32 v7, v18;
	(erf) = vpow2.f32 v21  }
0x70: {  	vm1 =	vgt.u32 v34, $0xC7;
	v21 =	vmul.f32 $1.442695020e+00, v16;
	v18 =	vor.u32 v36, v18  }
0x71: {  	v23 =	vshll.u32 v25, $0x3;
	v16 =	vshll.u32 v17, $0x3;
	(erf) = vpow2.f32 v20  }
0x72: {  	v23 =	vand.u32 $0xFFFFFC00, v23;
	v25 =	vsel vm1, v29, v34;
	v20 =	vand.u32 $0xFFFFFC00, v16  }
0x73: {  	v16 =	vsel vm0, v30, v26;
	v26 =	vshll.u32 v25, $0x3;
	v19 =	vmul.f32 $1.442695020e+00, v19  }
0x74: {  	v24 =	vand.u32 $0xFFFFFC00, v24;
	v29 =	vand.u32 $0xFFFFFC00, v26;
	(erf) = vpow2.f32 v21  }
0x75: {  	v21 =	vadd.s32 v7, v29;
	v27 =	vld.idx.msk [tilespmem:v18+s4+$0x0], $0xffff;
	v18 =	vadd.s32 v7, v23;
	(erf) = vpow2.f32 v19;
	v23 =	vpop (erf)  }
0x76: {  	v24 =	vadd.s32 v7, v24;
	v33 =	vand.u32 $0x7F, v25;
	v25 =	vand.u32 $0x7F, v31;
	v26 =	vpop (erf)  }
0x77: {  	v24 =	vor.u32 v25, v24;
	v29 =	vand.u32 $0xFFFFFC00, v35;
	v30 =	vor.u32 v33, v21;
	v19 =	vpop (erf)  }
0x78: {  	v21 =	vand.u32 $0x7F, v28;
	v25 =	vadd.s32 v7, v29;
	v8 =	vadd.f32 v19, v8;
	v28 =	vpop (erf)  }
.Ltmp0:
0x79: {  	v21 =	vor.u32 v21, v25;
	v9 =	vadd.f32 v23, v9;
	v19 =	vor.u32 v22, v18;
	(pc) =	sbr.rel @p0 .LBB2_4-.Ltmp0, $4  }
0x7a: {  	v17 =	vand.u32 $0x7F, v17;
	v18 =	vadd.s32 v7, v20;
	v10 =	vadd.f32 v28, v10;
	v20 =	vpop (erf)  }
0x7b: {  	v18 =	vor.u32 v17, v18;
	v17 =	vshll.u32 v16, $0x3;
	v11 =	vadd.f32 v20, v11  }
0x7c: {  	v12 =	vadd.f32 v32, v12;
	v13 =	vadd.f32 v26, v13;
	v20 =	vand.u32 $0xFFFFFC00, v17;
	v17 =	vld.idx.msk [tilespmem:v24+s4+$0x0], $0xffff  }
0x7d: {  	v14 =	vadd.f32 v15, v14;
	v22 =	vadd.s32 v7, v20;
	v24 =	vmul.f32 $1.442695020e+00, v27;
	v20 =	vld.idx.msk [tilespmem:v30+s4+$0x0], $0xffff;
	v23 =	vpop (erf)  }
0x7e: {  	_ =	sdelay $0x2  }
0x7f: {  	v7 =	vand.u32 $0x7F, v16  }
0x80: {  	v15 =	vld.idx.msk [tilespmem:v19+s4+$0x0], $0xffff;
	v7 =	vor.u32 v7, v22  }
0x81: {  	v45 =	vld.idx.msk [tilespmem:v18+s4+$0x0], $0xffff;
	_ =	sdelay $0x1  }
0x82: {  	v46 =	vld.idx.msk [tilespmem:v21+s4+$0x0], $0xffff;
	_ =	sdelay $0x1  }
0x83: {  	v15 =	vmul.f32 $1.442695020e+00, v15;
	v7 =	vld.idx.msk [tilespmem:v7+s4+$0x0], $0xffff  }
0x84: {  	(erf) = vpow2.f32 v24;
	v16 =	vmul.f32 $1.442695020e+00, v45  }
0x85: {  	v17 =	vmul.f32 $1.442695020e+00, v17;
	(erf) = vpow2.f32 v15  }
0x86: {  	v47 =	vmul.f32 $1.442695020e+00, v46;
	(erf) = vpow2.f32 v16  }
0x87: {  	v48 =	vmul.f32 $1.442695020e+00, v20;
	(erf) = vpow2.f32 v17  }
0x88: {  	(erf) = vpow2.f32 v47;
	v7 =	vmul.f32 $1.442695020e+00, v7  }
0x89: {  	(erf) = vpow2.f32 v48  }
0x8a: {  	(erf) = vpow2.f32 v7;
	_ =	sdelay $0x1  }
0x8b: {  	v7 =	vpop (erf)  }
0x8c: {  	v49 =	vpop (erf)  }
0x8d: {  	v50 =	vpop (erf)  }
0x8e: {  	v51 =	vpop (erf)  }
0x8f: {  	v52 =	vpop (erf)  }
0x90: {  	v6 =	vadd.f32 v23, v6;
	v53 =	vpop (erf)  }
0x91: {  	v7 =	vadd.f32 v7, v14;
	v13 =	vadd.f32 v51, v13;
	v54 =	vpop (erf)  }
0x92: {  	v55 =	vpop (erf)  }
0x93: {  	v7 =	vadd.f32 v13, v7;
	v6 =	vadd.f32 v55, v6;
	_ =	sdelay $0x1  }
0x94: {  	v12 =	vadd.f32 v49, v12;
	v6 =	vadd.f32 v6, v7;
	_ =	sdelay $0x1  }
0x95: {  	v7 =	vadd.f32 v50, v9;
	v6 =	vadd.f32 v12, v6;
	_ =	sdelay $0x1  }
0x96: {  	v56 =	vadd.f32 v53, v10;
	v6 =	vadd.f32 v7, v6;
	_ =	sdelay $0x1  }
0x97: {  	v7 =	vadd.f32 v54, v11;
	v6 =	vadd.f32 v56, v6;
	_ =	sdelay $0x1  }
0x98: {  	v8 =	vadd.f32 v52, v8;
	v6 =	vadd.f32 v7, v6;
	_ =	sdelay $0x1  }
0x99: {  	v6 =	vadd.f32 v8, v6;
	_ =	sdelay $0x1  }
0x9a: {  	v7 =	vand.u32 $0x7FFFFF, v6  }
0x9b: {  	v7 =	vor.u32 $0x3F800000, v7  }
0x9c: {  	v57 =	vmul.f32 $5.000000000e-01, v7  }
0x9d: {  	vm0 =	vgt.f32 v7, $1.414213540e+00  }
0x9e: {  	v7 =	vsel vm0, v57, v7  }
0x9f: {  	v8 =	vadd.f32 $1.000000000e+00, v7;
	_ =	sdelay $0x1  }
0xa0: {  	(erf) = vrcp.f32 v8;
	_ =	sdelay $0x7  }
0xa1: {  	v7 =	vadd.f32 $-1.000000000e+00, v7  }
0xa2: {  	v8 =	vpop (erf)  }
0xa3: {  	v7 =	vmul.f32 v8, v7  }
0xa4: {  	v58 =	vld [tilespmem:s26+$0x14000]  }
0xa5: {  	v59 =	vmul.f32 v7, v7;
	_ =	sdelay $0x1  }
0xa6: {  	v60 =	vmul.f32 $1.428571490e-01, v59;
	_ =	sdelay $0x1  }
0xa7: {  	v61 =	vshll.u32 v58, $0x3;
	v10 =	vadd.f32 $2.000000030e-01, v60  }
0xa8: {  	v11 =	vand.u32 $0xFFFFFC00, v61  }
0xa9: {  	v5 =	vadd.s32 v5, v11;
	v8 =	vand.u32 $0x7F, v58;
	v10 =	vmul.f32 v10, v59  }
0xaa: {  	v5 =	vor.u32 v8, v5  }
0xab: {  	v5 =	vor.u32 v2, v5;
	v62 =	vadd.f32 $3.333333430e-01, v10;
	_ =	sdelay $0x1  }
0xac: {  	v6 =	vshra.s32 v6, $0x17;
	v63 =	vsel vm0, $0xFFFFFF82, v4;
	v8 =	vmul.f32 v62, v59  }
0xad: {  	v6 =	vadd.s32 v6, v63  }
0xae: {  	v6 =	vcvt.s32.f32 v6;
	v7 =	vadd.f32 v7, v7;
	v8 =	vadd.f32 $1.000000000e+00, v8  }
0xaf: {  	v5 =	vld.idx.msk [tilespmem:v5+s4+$0x0], $0xffff  }
0xb0: {  	s25 =	sadd.s32 $0x1, s25;
	v6 =	vmul.f32 $6.931471820e-01, v6;
	v7 =	vmul.f32 v8, v7  }
0xb1: {  	p0 =	sne.s32 s25, $0xA  }
.Ltmp1:
0xb2: {  	v6 =	vadd.f32 v7, v6;
	(pc) =	sbr.rel @p0 .LBB2_3-.Ltmp1, $3  }
0xb3: {  	_ = 	snop  }
0xb4: {  	v5 =	vsub.f32 v5, v6;
	_ =	sdelay $0x1  }
0xb5: {  	[tilespmem:s26+$0x14200] =	vst v5  }
0xb6: {  	s0 =	sshll.u32 s21, $0x6  }
0xb7: {  	s0 =	sor.u32 s5, s0  }
0xb8: {  	s0 =	smul.u32 $0x14, s0;
	_ =	sdelay $0x1  }
0xb9: {  	s23 =	simm.s32 $0x0;
	s31 =	sadd.s32 $0x2, s24;
	s0 =	sadd.s32 s2, s0  }
0xba: {  	[hbm4b:s0+s23] =	stream.linear.scatter [tilespmem:s16], [sflag:$0x5], $0xA0, $0x38;
	[tilespmem:$0x14300] =	vst v63  }
0xbb: {  	s0 =	smin.u32 s31, s7  }
0xbc: {  	s0 =	sshll.u32 s0, $0x5  }
0xbd: {  	s0 =	sor.u32 s5, s0  }
0xbe: {  	_ =	swait.ge [sflag:s17], $0xA0;
	s3 =	smul.u32 $0x1400, s0  }
0xbf: {  	[sflag:s17] =	ssyncset.done $0x0  }
0xc0: {  	[sflag:s17] =	ssyncadd.s32 $0xFFFFFF60;
	s0 =	smul.u32 $0x14, s0;
	s3 =	sadd.s32 s6, s3  }
0xc1: {  	[tilespmem:s23], [sflag:$0x1] =	stream.linear.gather [hbm4b:s3+s23], $0xA000, $0x38;
	[tilespmem:$0x14300] =	vst v63  }
0xc2: {  	s0 =	sadd.s32 s1, s0  }
0xc3: {  	[tilespmem:s11], [sflag:$0x3] =	stream.linear.gather [hbm4b:s0+s23], $0xA0, $0x38;
	[tilespmem:$0x14300] =	vst v63  }
0xc4: {  	_ =	swait.ge [sflag:s18], $0xA000  }
0xc5: {  	[sflag:s18] =	ssyncset.done $0x0  }
0xc6: {  	[sflag:s18] =	ssyncadd.s32 $0xFFFF6000  }
0xc7: {  	_ =	swait.ge [sflag:s19], $0xA0  }
0xc8: {  	[sflag:s19] =	ssyncset.done $0x0  }
0xc9: {  	s24 =	simm.s32 $0x0;
	[sflag:s19] =	ssyncadd.s32 $0xFFFFFF60  }
.LBB2_7:
0xca: {  	s25 =	sshll.u32 s24, $0x4  }
0xcb: {  	s0 =	simm.s32 $0x1;
	v8 =	vadd.s32 s23, v3;
	s3 =	simm.s32 $0x2;
	s8 =	simm.s32 $0x3;
	v10 =	vadd.s32 s23, v0;
	v5 =	vmov s25  }
0xcc: {  	s9 =	simm.s32 $0x4;
	s10 =	simm.s32 $0x5;
	v9 =	vadd.s32 s0, v0;
	v11 =	vadd.s32 s3, v0;
	v12 =	vadd.s32 s8, v3  }
0xcd: {  	s26 =	simm.s32 $0x7;
	s31 =	simm.s32 $0x6;
	vm0 =	vgt.u32 v10, $0xC7;
	v13 =	vadd.s32 s9, v0;
	v14 =	vadd.s32 s10, v0  }
0xce: {  	s28 =	simm.s32 $0xF;
	v15 =	vadd.s32 s26, v0;
	v17 =	vadd.s32 s8, v0;
	v18 =	vadd.s32 s31, v3  }
0xcf: {  	s30 =	simm.s32 $0xD;
	v19 =	vadd.s32 s26, v3;
	v20 =	vadd.s32 s10, v3;
	v23 =	vadd.s32 s28, v0  }
0xd0: {  	v25 =	vadd.s32 s28, v3;
	v27 =	vadd.s32 s30, v3;
	v5 =	vshll.u32 v5, $0x8  }
0xd1: {  	v8 =	vsel vm0, v8, v10;
	v10 =	vadd.s32 s3, v3;
	vm1 =	vgt.u32 v17, $0xC7  }
0xd2: {  	vm3 =	vgt.u32 v14, $0xC7;
	vm6 =	vgt.u32 v13, $0xC7;
	v5 =	vor.u32 v1, v5  }
0xd3: {  	v16 =	vshll.u32 v8, $0x3;
	v8 =	vand.u32 $0x7F, v8;
	v12 =	vsel vm1, v12, v17  }
0xd4: {  	v17 =	vadd.s32 s9, v3;
	v14 =	vsel vm3, v20, v14;
	v5 =	vand.u32 $0xF800, v5  }
0xd5: {  	v16 =	vand.u32 $0xFFFFFC00, v16;
	v20 =	vshll.u32 v12, $0x3;
	v12 =	vand.u32 $0x7F, v12  }
0xd6: {  	v13 =	vsel vm6, v17, v13;
	v7 =	vor.u32 v2, v5;
	v20 =	vand.u32 $0xFFFFFC00, v20  }
0xd7: {  	v22 =	vand.u32 $0x7F, v13;
	v13 =	vshll.u32 v13, $0x3;
	v16 =	vadd.s32 v7, v16  }
0xd8: {  	v20 =	vadd.s32 v7, v20;
	v13 =	vand.u32 $0xFFFFFC00, v13;
	v8 =	vor.u32 v8, v16  }
0xd9: {  	vm15 =	vgt.u32 v15, $0xC7;
	v12 =	vor.u32 v12, v20;
	v13 =	vadd.s32 v7, v13  }
0xda: {  	vm2 =	vgt.u32 v11, $0xC7;
	vm5 =	vgt.u32 v9, $0xC7;
	v13 =	vor.u32 v22, v13  }
0xdb: {  	vm9 =	vgt.u32 v23, $0xC7;
	v15 =	vsel vm15, v19, v15;
	v19 =	vadd.s32 s0, v3  }
0xdc: {  	v10 =	vsel vm2, v10, v11;
	v23 =	vsel vm9, v25, v23;
	v21 =	vshll.u32 v14, $0x3  }
0xdd: {  	v17 =	vshll.u32 v15, $0x3;
	v9 =	vsel vm5, v19, v9;
	v15 =	vand.u32 $0x7F, v15;
	v8 =	vld.idx.msk [tilespmem:v8+s12+$0x0], $0xffff  }
0xde: {  	v19 =	vshll.u32 v9, $0x3;
	v17 =	vand.u32 $0xFFFFFC00, v17;
	v9 =	vand.u32 $0x7F, v9;
	v12 =	vld.idx.msk [tilespmem:v12+s12+$0x0], $0xffff  }
0xdf: {  	s10 =	simm.s32 $0xA;
	v19 =	vand.u32 $0xFFFFFC00, v19;
	v16 =	vadd.s32 s31, v0;
	v20 =	vadd.s32 s30, v0;
	s31 =	simm.s32 $0xE;
	v13 =	vld.idx.msk [tilespmem:v13+s12+$0x0], $0xffff  }
0xe0: {  	vm7 =	vgt.u32 v16, $0xC7;
	v22 =	vadd.s32 s10, v3;
	v26 =	vadd.s32 s31, v0  }
0xe1: {  	vm12 =	vgt.u32 v20, $0xC7;
	v16 =	vsel vm7, v18, v16;
	v18 =	vadd.s32 s10, v0  }
0xe2: {  	v20 =	vsel vm12, v27, v20;
	vm15 =	vgt.u32 v26, $0xC7;
	v11 =	vshll.u32 v16, $0x3  }
0xe3: {  	vm11 =	vgt.u32 v18, $0xC7;
	v11 =	vand.u32 $0xFFFFFC00, v11;
	v8 =	vmul.f32 $1.442695020e+00, v8  }
0xe4: {  	v11 =	vadd.s32 v7, v11;
	v12 =	vmul.f32 $1.442695020e+00, v12;
	v13 =	vmul.f32 $1.442695020e+00, v13  }
0xe5: {  	s9 =	simm.s32 $0x8;
	(erf) = vpow2.f32 v8;
	v8 =	vand.u32 $0x7F, v16;
	v16 =	vadd.s32 v7, v17  }
0xe6: {  	v17 =	vand.u32 $0xFFFFFC00, v21;
	v21 =	vadd.s32 s9, v0;
	v8 =	vor.u32 v8, v11  }
0xe7: {  	v11 =	vand.u32 $0x7F, v14;
	v14 =	vadd.s32 v7, v17;
	v15 =	vor.u32 v15, v16  }
0xe8: {  	s3 =	simm.s32 $0x9;
	v16 =	vshll.u32 v10, $0x3;
	v11 =	vor.u32 v11, v14;
	v14 =	vadd.s32 v7, v19  }
0xe9: {  	s26 =	simm.s32 $0xB;
	v10 =	vand.u32 $0x7F, v10;
	v17 =	vadd.s32 s3, v0;
	v9 =	vor.u32 v9, v14  }
0xea: {  	(erf) = vpow2.f32 v12;
	v12 =	vadd.s32 s26, v3;
	v14 =	vand.u32 $0xFFFFFC00, v16  }
0xeb: {  	s29 =	simm.s32 $0xC;
	vm8 =	vgt.u32 v21, $0xC7;
	v16 =	vadd.s32 s9, v3;
	v14 =	vadd.s32 v7, v14  }
0xec: {  	v19 =	vadd.s32 s29, v0;
	v10 =	vor.u32 v10, v14;
	v14 =	vsel vm8, v16, v21  }
0xed: {  	vm13 =	vgt.u32 v17, $0xC7;
	(erf) = vpow2.f32 v13;
	v8 =	vld.idx.msk [tilespmem:v8+s12+$0x0], $0xffff;
	v24 =	vshll.u32 v14, $0x3  }
0xee: {  	v13 =	vshll.u32 v23, $0x3;
	vm14 =	vgt.u32 v19, $0xC7;
	v24 =	vand.u32 $0xFFFFFC00, v24;
	v9 =	vld.idx.msk [tilespmem:v9+s12+$0x0], $0xffff  }
0xef: {  	v16 =	vadd.s32 s26, v0;
	v15 =	vld.idx.msk [tilespmem:v15+s12+$0x0], $0xffff;
	v14 =	vand.u32 $0x7F, v14;
	v24 =	vadd.s32 v7, v24  }
0xf0: {  	v13 =	vand.u32 $0xFFFFFC00, v13;
	vm10 =	vgt.u32 v16, $0xC7;
	v11 =	vld.idx.msk [tilespmem:v11+s12+$0x0], $0xffff;
	v14 =	vor.u32 v14, v24  }
0xf1: {  	v13 =	vadd.s32 v7, v13;
	v12 =	vsel vm10, v12, v16;
	v16 =	vadd.s32 s29, v3;
	v10 =	vld.idx.msk [tilespmem:v10+s12+$0x0], $0xffff  }
0xf2: {  	v21 =	vadd.s32 s31, v3;
	v27 =	vand.u32 $0x7F, v12;
	v16 =	vsel vm14, v16, v19  }
0xf3: {  	v12 =	vshll.u32 v12, $0x3;
	v24 =	vadd.s32 s3, v3;
	v9 =	vmul.f32 $1.442695020e+00, v9  }
0xf4: {  	v12 =	vand.u32 $0xFFFFFC00, v12;
	v8 =	vmul.f32 $1.442695020e+00, v8;
	v15 =	vmul.f32 $1.442695020e+00, v15  }
0xf5: {  	v12 =	vadd.s32 v7, v12;
	v11 =	vmul.f32 $1.442695020e+00, v11;
	(erf) = vpow2.f32 v9;
	v9 =	vld.idx.msk [tilespmem:v14+s12+$0x0], $0xffff  }
0xf6: {  	v14 =	vand.u32 $0x7F, v16;
	v10 =	vmul.f32 $1.442695020e+00, v10;
	(erf) = vpow2.f32 v15  }
0xf7: {  	v16 =	vshll.u32 v16, $0x3;
	v15 =	vsel vm13, v24, v17;
	(erf) = vpow2.f32 v11  }
0xf8: {  	v17 =	vsel vm15, v21, v26;
	v11 =	vor.u32 v27, v12;
	(erf) = vpow2.f32 v8  }
0xf9: {  	v26 =	vpop (erf);
	v8 =	vand.u32 $0xFFFFFC00, v16;
	v16 =	vsel vm11, v22, v18;
	v18 =	vshll.u32 v17, $0x3  }
0xfa: {  	v22 =	vpop (erf);
	v18 =	vand.u32 $0xFFFFFC00, v18;
	(erf) = vpow2.f32 v10;
	v9 =	vmul.f32 $1.442695020e+00, v9  }
0xfb: {  	v10 =	vadd.s32 v7, v8;
	v8 =	vadd.s32 v7, v18;
	v18 =	vand.u32 $0x7F, v23  }
0xfc: {  	v6 =	vimm.f32 $0.0e+00;
	v12 =	vshll.u32 v15, $0x3;
	v13 =	vor.u32 v18, v13  }
0xfd: {  	v25 =	vshll.u32 v20, $0x3;
	v12 =	vand.u32 $0xFFFFFC00, v12;
	(erf) = vpow2.f32 v9  }
0xfe: {  	v19 =	vand.u32 $0xFFFFFC00, v25;
	v17 =	vand.u32 $0x7F, v17;
	v12 =	vadd.s32 v7, v12;
	v24 =	vld.idx.msk [tilespmem:v11+s12+$0x0], $0xffff;
	v9 =	vpop (erf)  }
0xff: {  	v25 =	vor.u32 v17, v8;
	v17 =	vadd.s32 v7, v19;
	v11 =	vand.u32 $0x7F, v20;
	v23 =	vpop (erf)  }
0x100: {  	v19 =	vor.u32 v14, v10;
	v21 =	vor.u32 v11, v17;
	v9 =	vadd.f32 v9, v6;
	v8 =	vpop (erf)  }
0x101: {  	v11 =	vand.u32 $0x7F, v15;
	v17 =	vld.idx.msk [tilespmem:v13+s12+$0x0], $0xffff;
	v13 =	vadd.f32 v23, v6;
	v8 =	vadd.f32 v8, v6;
	v18 =	vpop (erf)  }
0x102: {  	v10 =	vadd.f32 v18, v6;
	v14 =	vpop (erf);
	v18 =	vor.u32 v11, v12;
	v12 =	vshll.u32 v16, $0x3  }
0x103: {  	v24 =	vmul.f32 $1.442695020e+00, v24;
	v11 =	vadd.f32 v14, v6;
	v14 =	vand.u32 $0xFFFFFC00, v12  }
0x104: {  	s26 =	simm.s32 $0x10;
	v20 =	vld.idx.msk [tilespmem:v25+s12+$0x0], $0xffff;
	v12 =	vadd.f32 v22, v6;
	v23 =	vpop (erf);
	v22 =	vadd.s32 v7, v14;
	v14 =	vadd.f32 v26, v6  }
.LBB2_8:
0x105: {  	s28 =	sadd.s32 $0x1, s26  }
0x106: {  	v25 =	vadd.s32 s26, v3;
	s0 =	sadd.s32 $0x2, s26;
	s3 =	sadd.s32 $0x3, s26;
	v16 =	vand.u32 $0x7F, v16;
	v21 =	vld.idx.msk [tilespmem:v21+s12+$0x0], $0xffff;
	v15 =	vpop (erf);
	v6 =	vadd.f32 v23, v6;
	s8 =	smov.u32 s26  }
0x107: {  	s9 =	sadd.s32 $0x4, s26;
	s10 =	sadd.s32 $0x5, s26;
	s29 =	sadd.s32 $0x6, s26;
	v23 =	vadd.s32 s28, v0;
	v26 =	vadd.s32 s0, v0;
	v19 =	vld.idx.msk [tilespmem:v19+s12+$0x0], $0xffff;
	(erf) = vpow2.f32 v24  }
0x108: {  	p0 =	slt.u32 s26, $0xC0;
	s26 =	sadd.s32 $0x8, s26;
	v24 =	vadd.s32 s3, v3;
	v27 =	vadd.s32 s9, v0;
	v28 =	vadd.s32 s10, v0;
	s30 =	sadd.s32 $0x7, s8  }
0x109: {  	v29 =	vadd.s32 s8, v0;
	v30 =	vadd.s32 s0, v3;
	v31 =	vadd.s32 s30, v0  }
0x10a: {  	v16 =	vor.u32 v16, v22;
	vm0 =	vgt.u32 v29, $0xC7;
	vm1 =	vgt.u32 v31, $0xC7  }
0x10b: {  	v22 =	vsel vm0, v25, v29;
	v25 =	vadd.s32 s3, v0;
	v29 =	vadd.s32 s29, v3  }
0x10c: {  	v33 =	vadd.s32 s30, v3;
	v32 =	vshll.u32 v22, $0x3;
	v20 =	vmul.f32 $1.442695020e+00, v20;
	v18 =	vld.idx.msk [tilespmem:v18+s12+$0x0], $0xffff  }
0x10d: {  	v34 =	vadd.s32 s29, v0;
	vm2 =	vgt.u32 v25, $0xC7;
	v32 =	vand.u32 $0xFFFFFC00, v32  }
0x10e: {  	vm3 =	vgt.u32 v28, $0xC7;
	vm0 =	vgt.u32 v26, $0xC7;
	v36 =	vadd.s32 v7, v32  }
0x10f: {  	v35 =	vadd.s32 s10, v3;
	v17 =	vmul.f32 $1.442695020e+00, v17;
	v22 =	vand.u32 $0x7F, v22;
	v16 =	vld.idx.msk [tilespmem:v16+s12+$0x0], $0xffff  }
0x110: {  	v24 =	vsel vm2, v24, v25;
	v25 =	vadd.s32 s9, v3;
	v22 =	vor.u32 v22, v36;
	v32 =	vpop (erf)  }
0x111: {  	v28 =	vsel vm3, v35, v28;
	v31 =	vsel vm1, v33, v31;
	v19 =	vmul.f32 $1.442695020e+00, v19  }
0x112: {  	vm1 =	vgt.u32 v23, $0xC7;
	vm2 =	vgt.u32 v27, $0xC7;
	v21 =	vmul.f32 $1.442695020e+00, v21  }
0x113: {  	v33 =	vadd.s32 s28, v3;
	v35 =	vshll.u32 v28, $0x3;
	v18 =	vmul.f32 $1.442695020e+00, v18  }
0x114: {  	v25 =	vsel vm2, v25, v27;
	v36 =	vand.u32 $0x7F, v24;
	(erf) = vpow2.f32 v19  }
0x115: {  	v19 =	vld.idx.msk [tilespmem:v22+s12+$0x0], $0xffff;
	v22 =	vshll.u32 v24, $0x3;
	v24 =	vshll.u32 v31, $0x3;
	(erf) = vpow2.f32 v18  }
0x116: {  	v18 =	vand.u32 $0xFFFFFC00, v22;
	v22 =	vand.u32 $0x7F, v25;
	(erf) = vpow2.f32 v17  }
0x117: {  	v17 =	vsel vm1, v33, v23;
	v18 =	vadd.s32 v7, v18;
	(erf) = vpow2.f32 v21  }
0x118: {  	vm1 =	vgt.u32 v34, $0xC7;
	v21 =	vmul.f32 $1.442695020e+00, v16;
	v18 =	vor.u32 v36, v18  }
0x119: {  	v23 =	vshll.u32 v25, $0x3;
	v16 =	vshll.u32 v17, $0x3;
	(erf) = vpow2.f32 v20  }
0x11a: {  	v23 =	vand.u32 $0xFFFFFC00, v23;
	v25 =	vsel vm1, v29, v34;
	v20 =	vand.u32 $0xFFFFFC00, v16  }
0x11b: {  	v16 =	vsel vm0, v30, v26;
	v26 =	vshll.u32 v25, $0x3;
	v19 =	vmul.f32 $1.442695020e+00, v19  }
0x11c: {  	v24 =	vand.u32 $0xFFFFFC00, v24;
	v29 =	vand.u32 $0xFFFFFC00, v26;
	(erf) = vpow2.f32 v21  }
0x11d: {  	v21 =	vadd.s32 v7, v29;
	v27 =	vld.idx.msk [tilespmem:v18+s12+$0x0], $0xffff;
	v18 =	vadd.s32 v7, v23;
	(erf) = vpow2.f32 v19;
	v23 =	vpop (erf)  }
0x11e: {  	v24 =	vadd.s32 v7, v24;
	v33 =	vand.u32 $0x7F, v25;
	v25 =	vand.u32 $0x7F, v31;
	v26 =	vpop (erf)  }
0x11f: {  	v24 =	vor.u32 v25, v24;
	v29 =	vand.u32 $0xFFFFFC00, v35;
	v30 =	vor.u32 v33, v21;
	v19 =	vpop (erf)  }
0x120: {  	v21 =	vand.u32 $0x7F, v28;
	v25 =	vadd.s32 v7, v29;
	v8 =	vadd.f32 v19, v8;
	v28 =	vpop (erf)  }
.Ltmp2:
0x121: {  	v21 =	vor.u32 v21, v25;
	v9 =	vadd.f32 v23, v9;
	v19 =	vor.u32 v22, v18;
	(pc) =	sbr.rel @p0 .LBB2_8-.Ltmp2, $4  }
0x122: {  	v17 =	vand.u32 $0x7F, v17;
	v18 =	vadd.s32 v7, v20;
	v10 =	vadd.f32 v28, v10;
	v20 =	vpop (erf)  }
0x123: {  	v18 =	vor.u32 v17, v18;
	v17 =	vshll.u32 v16, $0x3;
	v11 =	vadd.f32 v20, v11  }
0x124: {  	v12 =	vadd.f32 v32, v12;
	v13 =	vadd.f32 v26, v13;
	v20 =	vand.u32 $0xFFFFFC00, v17;
	v17 =	vld.idx.msk [tilespmem:v24+s12+$0x0], $0xffff  }
0x125: {  	v14 =	vadd.f32 v15, v14;
	v22 =	vadd.s32 v7, v20;
	v24 =	vmul.f32 $1.442695020e+00, v27;
	v20 =	vld.idx.msk [tilespmem:v30+s12+$0x0], $0xffff;
	v23 =	vpop (erf)  }
0x126: {  	_ =	sdelay $0x2  }
0x127: {  	v7 =	vand.u32 $0x7F, v16  }
0x128: {  	v15 =	vld.idx.msk [tilespmem:v19+s12+$0x0], $0xffff;
	v7 =	vor.u32 v7, v22  }
0x129: {  	v45 =	vld.idx.msk [tilespmem:v18+s12+$0x0], $0xffff;
	_ =	sdelay $0x1  }
0x12a: {  	v46 =	vld.idx.msk [tilespmem:v21+s12+$0x0], $0xffff;
	_ =	sdelay $0x1  }
0x12b: {  	v15 =	vmul.f32 $1.442695020e+00, v15;
	v7 =	vld.idx.msk [tilespmem:v7+s12+$0x0], $0xffff  }
0x12c: {  	(erf) = vpow2.f32 v24;
	v16 =	vmul.f32 $1.442695020e+00, v45  }
0x12d: {  	v17 =	vmul.f32 $1.442695020e+00, v17;
	(erf) = vpow2.f32 v15  }
0x12e: {  	v47 =	vmul.f32 $1.442695020e+00, v46;
	(erf) = vpow2.f32 v16  }
0x12f: {  	v48 =	vmul.f32 $1.442695020e+00, v20;
	(erf) = vpow2.f32 v17  }
0x130: {  	(erf) = vpow2.f32 v47;
	v7 =	vmul.f32 $1.442695020e+00, v7  }
0x131: {  	(erf) = vpow2.f32 v48  }
0x132: {  	(erf) = vpow2.f32 v7;
	_ =	sdelay $0x1  }
0x133: {  	v7 =	vpop (erf)  }
0x134: {  	v49 =	vpop (erf)  }
0x135: {  	v50 =	vpop (erf)  }
0x136: {  	v51 =	vpop (erf)  }
0x137: {  	v52 =	vpop (erf)  }
0x138: {  	v6 =	vadd.f32 v23, v6;
	v53 =	vpop (erf)  }
0x139: {  	v7 =	vadd.f32 v7, v14;
	v13 =	vadd.f32 v51, v13;
	v54 =	vpop (erf)  }
0x13a: {  	v55 =	vpop (erf)  }
0x13b: {  	v7 =	vadd.f32 v13, v7;
	v6 =	vadd.f32 v55, v6;
	_ =	sdelay $0x1  }
0x13c: {  	v12 =	vadd.f32 v49, v12;
	v6 =	vadd.f32 v6, v7;
	_ =	sdelay $0x1  }
0x13d: {  	v7 =	vadd.f32 v50, v9;
	v6 =	vadd.f32 v12, v6;
	_ =	sdelay $0x1  }
0x13e: {  	v56 =	vadd.f32 v53, v10;
	v6 =	vadd.f32 v7, v6;
	_ =	sdelay $0x1  }
0x13f: {  	v7 =	vadd.f32 v54, v11;
	v6 =	vadd.f32 v56, v6;
	_ =	sdelay $0x1  }
0x140: {  	v8 =	vadd.f32 v52, v8;
	v6 =	vadd.f32 v7, v6;
	_ =	sdelay $0x1  }
0x141: {  	v6 =	vadd.f32 v8, v6;
	_ =	sdelay $0x1  }
0x142: {  	v7 =	vand.u32 $0x7FFFFF, v6  }
0x143: {  	v7 =	vor.u32 $0x3F800000, v7  }
0x144: {  	v57 =	vmul.f32 $5.000000000e-01, v7  }
0x145: {  	vm0 =	vgt.f32 v7, $1.414213540e+00  }
0x146: {  	v7 =	vsel vm0, v57, v7  }
0x147: {  	v8 =	vadd.f32 $1.000000000e+00, v7;
	_ =	sdelay $0x1  }
0x148: {  	(erf) = vrcp.f32 v8;
	_ =	sdelay $0x7  }
0x149: {  	v7 =	vadd.f32 $-1.000000000e+00, v7  }
0x14a: {  	v8 =	vpop (erf)  }
0x14b: {  	v7 =	vmul.f32 v8, v7  }
0x14c: {  	v58 =	vld [tilespmem:s25+$0x14100]  }
0x14d: {  	v59 =	vmul.f32 v7, v7;
	_ =	sdelay $0x1  }
0x14e: {  	v60 =	vmul.f32 $1.428571490e-01, v59;
	_ =	sdelay $0x1  }
0x14f: {  	v61 =	vshll.u32 v58, $0x3;
	v10 =	vadd.f32 $2.000000030e-01, v60  }
0x150: {  	v11 =	vand.u32 $0xFFFFFC00, v61  }
0x151: {  	v5 =	vadd.s32 v5, v11;
	v8 =	vand.u32 $0x7F, v58;
	v10 =	vmul.f32 v10, v59  }
0x152: {  	v5 =	vor.u32 v8, v5  }
0x153: {  	v5 =	vor.u32 v2, v5;
	v62 =	vadd.f32 $3.333333430e-01, v10;
	_ =	sdelay $0x1  }
0x154: {  	v6 =	vshra.s32 v6, $0x17;
	v63 =	vsel vm0, $0xFFFFFF82, v4;
	v8 =	vmul.f32 v62, v59  }
0x155: {  	v6 =	vadd.s32 v6, v63  }
0x156: {  	v6 =	vcvt.s32.f32 v6;
	v7 =	vadd.f32 v7, v7;
	v8 =	vadd.f32 $1.000000000e+00, v8  }
0x157: {  	v5 =	vld.idx.msk [tilespmem:v5+s12+$0x0], $0xffff  }
0x158: {  	s24 =	sadd.s32 $0x1, s24;
	v6 =	vmul.f32 $6.931471820e-01, v6;
	v7 =	vmul.f32 v8, v7  }
0x159: {  	p0 =	sne.s32 s24, $0xA  }
.Ltmp3:
0x15a: {  	v6 =	vadd.f32 v7, v6;
	(pc) =	sbr.rel @p0 .LBB2_7-.Ltmp3, $3  }
0x15b: {  	_ = 	snop  }
0x15c: {  	v5 =	vsub.f32 v5, v6;
	_ =	sdelay $0x1  }
0x15d: {  	[tilespmem:s25+$0x14200] =	vst v5  }
0x15e: {  	s21 =	sadd.s32 $0x1, s21  }
0x15f: {  	p0 =	sne.s32 s21, $0xA  }
.Ltmp4:
0x160: {  	s0 =	sadd.s32 s2, s22;
	(pc) =	sbr.rel @p0 .LBB2_2-.Ltmp4, $4  }
0x161: {  	[hbm4b:s0+s4] =	stream.linear.scatter [tilespmem:s16], [sflag:$0x5], $0xA0, $0x38;
	[tilespmem:$0x14300] =	vst v63  }
0x162: {  	_ =	swait.ge [sflag:s17], $0xA0  }
0x163: {  	[sflag:s17] =	ssyncset.done $0x0  }
0x164: {  	[sflag:s17] =	ssyncadd.s32 $0xFFFFFF60  }
0x165: {  	_ =	swait.ge [sflag:s14], $0xA000  }
0x166: {  	[sflag:s14] =	ssyncset.done $0x0  }
0x167: {  	[sflag:s14] =	ssyncadd.s32 $0xFFFF6000  }
0x168: {  	_ =	swait.ge [sflag:s15], $0xA0  }
0x169: {  	s20 =	sadd.s32 $0x1, s20;
	s0 =	rddreg [dreg:$0x6]  }
0x16a: {  	p0 =	sne.s32 s20, s0  }
.Ltmp5:
0x16b: {  	_ = 	snop;
	(pc) =	sbr.rel @p0 .LBB2_1-.Ltmp5, $3  }
0x16c: {  	_ =	sdelay $0x1  }
0x16d: {  	[sflag:s15] =	ssyncset.done $0x0  }
0x16e: {  	[sflag:s15] =	ssyncadd.s32 $0xFFFFFF60  }
0x16f: {  	_ =	sfence.sel $0x180000  }
0x170: {  	[bflag:$0x0] =	sbarrier.arrive $0xFFFF  }
0x171: {  	_ =	strace $0x90000047  }
0x172: {  	s0 =	stileid.u32;
	[bflag:$0x2] =	sbarrier.arrive $0xFFFF  }
0x173: {  	p0 =	sne.s32 s0, $0x0;
	s0 =	rddreg [dreg:$0x3]  }
0x174: {  	s0 =	sadd.s32 @!p0 $0x100000, s0  }
0x175: {  	[sflag:s0] =	ssyncadd.tile.s32 @!p0 $0x1;
	_ =	shalt  }
.Lfunc_end2:
_tile_overlayer_lowered:
.L_overlay_start_2:
0x176: {  	(tag) =	ssettag $0x2  }
0x177: {  	s0 =	rddreg [dreg:$0x0];
	s2 =	stileid.u32  }
0x178: {  	s1 =	rddreg [dreg:$0x1];
	p0 =	sne.s32 s2, $0x0  }
0x179: {  	s3 =	rddreg [dreg:$0x2];
	[bflag:$0x3] =	sbarrier.arrive $0xFFFF;
	s2 =	simm.s32 @!p0 $0x1C05  }
0x17a: {  	[timem:s3], [sflag:s2] =	dma.local @!p0 [hbm:s0], s1  }
0x17b: {  	s0 =	simm.s32 @!p0 $0x5  }
0x17c: {  	_ =	swait.ge @!p0 [sflag:s0], s1  }
0x17d: {  	s1 =	ssub.s32 @!p0 $0x0, s1;
	[sflag:s0] =	ssyncset.done @!p0 $0x0  }
0x17e: {  	[sflag:s0] =	ssyncadd.s32 @!p0 s1  }
0x17f: {  	[bflag:$0x3] =	sbarrier.arrive $0xFFFF  }
0x180: {  	_ =	shalt  }

</sc_bundles>
